<compile_context>
chip_gen: v7x
topology: tpu7x:2x2x1
jax: 0.10.2.dev20260603
libtpu: 0.0.44.dev20260713+nightly
codegen_flags: <defaults>
</compile_context>

<pallas_src>
import jax
import jax.numpy as jnp
from jax import lax
from jax.experimental import pallas as pl
from jax.experimental.pallas import tpu as pltpu
from jax.experimental.pallas import tpu_sc as plsc

_RADIUS2 = 0.15 ** 2
_K = 64
_B, _N = 4, 4096
_NW = 32
_ROWS_PER_W = (_B * _N) // _NW
_W_PER_BATCH = _N // _ROWS_PER_W
_NV = _N // 16
_R = 8
_BUF = _N


def _round_bf16(v):
    bits = lax.bitcast_convert_type(v, jnp.uint32)
    rb = bits + jnp.uint32(0x7FFF) + ((bits >> 16) & jnp.uint32(1))
    rb = rb & jnp.uint32(0xFFFF0000)
    return lax.bitcast_convert_type(rb, jnp.float32)


def _tec_body(pos_hbm, out_hbm, x, y, z, xb, yb, zb, n2, buf, stage):
    cid = lax.axis_index("c")
    sid = lax.axis_index("s")
    wid = sid * 2 + cid
    b = wid // _W_PER_BATCH
    rbase = (wid % _W_PER_BATCH) * _ROWS_PER_W

    pltpu.sync_copy(pos_hbm.at[pl.ds(b * 3 * _N, _N)], x)
    pltpu.sync_copy(pos_hbm.at[pl.ds(b * 3 * _N + _N, _N)], y)
    pltpu.sync_copy(pos_hbm.at[pl.ds(b * 3 * _N + 2 * _N, _N)], z)
    iota = lax.iota(jnp.int32, 16)
    ones = jnp.ones((16,), jnp.int32)

    def n2_body(v, carry):
        sl = pl.ds(v * 16, 16)
        xv = x[sl]
        yv = y[sl]
        zv = z[sl]
        n2[sl] = (xv * xv + yv * yv) + zv * zv
        xb[sl] = _round_bf16(xv)
        yb[sl] = _round_bf16(yv)
        zb[sl] = _round_bf16(zv)
        return carry

    lax.fori_loop(0, _NV, n2_body, 0)

    def group_body(g, carry):
        r0 = rbase + g * _R
        m2xs, m2ys, m2zs, qns = [], [], [], []
        for i in range(_R):
            ri = jnp.full((16,), r0 + i, jnp.int32)
            m2xs.append(-2.0 * plsc.load_gather(xb, [ri]))
            m2ys.append(-2.0 * plsc.load_gather(yb, [ri]))
            m2zs.append(-2.0 * plsc.load_gather(zb, [ri]))
            qns.append(plsc.load_gather(n2, [ri]))

        def j_body(v, bases):
            sl = pl.ds(v * 16, 16)
            px = xb[sl]
            py = yb[sl]
            pz = zb[sl]
            nn = n2[sl]
            jv = iota + v * 16
            new_bases = []
            for i in range(_R):
                t = (((px * m2xs[i] + py * m2ys[i]) + pz * m2zs[i])
                     + qns[i]) + nn
                mask = t <= _RADIUS2
                incl = plsc.cumsum(ones, mask=mask)
                plsc.store_scatter(buf, [bases[i] + incl], jv, mask=mask)
                new_bases.append(
                    bases[i] + plsc.all_reduce_population_count(mask))
            return tuple(new_bases)

        bases = lax.fori_loop(
            0, _NV, j_body,
            tuple(jnp.full((16,), i * _BUF - 1, jnp.int32)
                  for i in range(_R)))
        for i in range(_R):
            cnt = bases[i] - (i * _BUF - 1)
            cur0 = buf[pl.ds(i * _BUF, 16)]
            first = jnp.broadcast_to(cur0[0], (16,))
            for v in range(_K // 16):
                cur = cur0 if v == 0 else buf[pl.ds(i * _BUF + v * 16, 16)]
                keep = (iota + v * 16) < cnt
                stage[pl.ds((g * _R + i) * _K + v * 16, 16)] = jnp.where(
                    keep, cur, first)
        return carry

    lax.fori_loop(0, _ROWS_PER_W // _R, group_body, 0)
    pltpu.sync_copy(
        stage, out_hbm.at[pl.ds(wid * _ROWS_PER_W * _K, _ROWS_PER_W * _K)]
    )


def _build_kernel():
    mesh = plsc.VectorSubcoreMesh(core_axis_name="c", subcore_axis_name="s")
    return pl.kernel(
        _tec_body,
        out_type=jax.ShapeDtypeStruct((_B * _N * _K,), jnp.int32),
        mesh=mesh,
        scratch_types=[
            pltpu.VMEM((_N,), jnp.float32),
            pltpu.VMEM((_N,), jnp.float32),
            pltpu.VMEM((_N,), jnp.float32),
            pltpu.VMEM((_N,), jnp.float32),
            pltpu.VMEM((_N,), jnp.float32),
            pltpu.VMEM((_N,), jnp.float32),
            pltpu.VMEM((_N,), jnp.float32),
            pltpu.VMEM((_R * _BUF,), jnp.int32),
            pltpu.VMEM((_ROWS_PER_W * _K,), jnp.int32),
        ],
        compiler_params=pltpu.CompilerParams(needs_layout_passes=False),
    )


@jax.jit
def kernel(pos, centroids):
    del centroids
    posT = jnp.transpose(pos, (0, 2, 1))
    out = _build_kernel()(posT.reshape(-1))
    return out.reshape(_B, _N, _K)

# --- scband reference (transcript-rebuilt; emitter-appended) ---
"""Pipeline reference for scband-fixed-radius-near-neighbors-7301444403892 (READ-ONLY COPY).

The authoritative reference and input builder live on the scoring server;
editing this copy changes nothing except your own understanding.
"""

import jax, jax.numpy as jnp
import numpy as np

RADIUS = 0.15
N_NEIGHBOR = 64
KNN = False

B, N, D = 4, 4096, 3
S_CENT = 512


def setup_inputs(seed: int = 0) -> dict:
    key = jax.random.key(seed)
    k1, k2 = jax.random.split(key)
    pos = jax.random.uniform(k1, (B, N, D), dtype=jnp.float32)
    # centroids arg is accepted by the original forward but unused (center_pos = pos)
    centroids = jax.random.randint(k2, (B, S_CENT), 0, N)
    return {"pos": pos, "centroids": centroids}


def square_distance(src, dst):
    # dist[b, n, m] = ||src[b,n] - dst[b,m]||^2
    dist = -2.0 * jnp.matmul(src, jnp.swapaxes(dst, 1, 2))
    dist = dist + jnp.sum(src ** 2, axis=-1)[:, :, None]
    dist = dist + jnp.sum(dst ** 2, axis=-1)[:, None, :]
    return dist


def reference(pos, centroids):
    b, n, _ = pos.shape
    center_pos = pos  # faithful to original: centroids input is ignored
    s = n
    sqrdists = square_distance(center_pos, pos)  # [B, S, N]
    if KNN:
        neg = -sqrdists
        _, group_idx = jax.lax.top_k(neg, N_NEIGHBOR + 1)
        group_idx = group_idx[:, :, 1:N_NEIGHBOR + 1]
    else:
        group_idx = jnp.broadcast_to(jnp.arange(n, dtype=jnp.int32), (b, s, n))
        group_idx = jnp.where(sqrdists > RADIUS ** 2, jnp.int32(n), group_idx)
        group_idx = jnp.sort(group_idx, axis=-1)[:, :, :N_NEIGHBOR]
        group_first = jnp.broadcast_to(group_idx[:, :, 0:1], (b, s, N_NEIGHBOR))
        mask = group_idx == n
        group_idx = jnp.where(mask, group_first, group_idx)
    return group_idx

if __name__ == "__main__":
    import jax
    _d = setup_inputs()
    print(jax.jit(kernel)(*tuple(_d.values())))

</pallas_src>

<mosaic_0001>
#map = affine_map<(d0, d1) -> (0)>
module attributes {stable_mosaic.version = 14 : i64} {
  func.func @_tec_body(%arg0: i32, %arg1: i32, %arg2: memref<49152xf32, #tpu.memory_space<hbm>>, %arg3: memref<1048576xi32, #tpu.memory_space<hbm>>, %arg4: memref<4096xf32, #tpu.memory_space<vmem>>, %arg5: memref<4096xf32, #tpu.memory_space<vmem>>, %arg6: memref<4096xf32, #tpu.memory_space<vmem>>, %arg7: memref<4096xf32, #tpu.memory_space<vmem>>, %arg8: memref<4096xf32, #tpu.memory_space<vmem>>, %arg9: memref<4096xf32, #tpu.memory_space<vmem>>, %arg10: memref<4096xf32, #tpu.memory_space<vmem>>, %arg11: memref<32768xi32, #tpu.memory_space<vmem>>, %arg12: memref<32768xi32, #tpu.memory_space<vmem>>) attributes {dimension_semantics = [#tpu.dimension_semantics<core_parallel>, #tpu.dimension_semantics<subcore_parallel>], iteration_bounds = array<i64: 2, 16>, scalar_prefetch = 0 : i64, scratch_operands = 9 : i64, tpu.core_type = #tpu.core_type<sc_vector_subcore>, window_params = [{transform_indices = #map}, {transform_indices = #map}]} {
    %mul3A = arith.constant 2 : i32
    %mul3A_0 = arith.muli %arg1, %mul3A : i32
    %add3A = arith.addi %mul3A_0, %arg0 : i32
    %jit3A = arith.constant 8 : i32
    %div3A = arith.divsi %add3A, %jit3A : i32
    %sign3A = arith.constant 0 : i32
    %sign3A_1 = arith.cmpi sgt, %add3A, %sign3A : i32
    %sign3A_2 = arith.extui %sign3A_1 : i1 to i32
    %sign3A_3 = arith.constant 0 : i32
    %sign3A_4 = arith.cmpi slt, %add3A, %sign3A_3 : i32
    %sign3A_5 = arith.extui %sign3A_4 : i1 to i32
    %sign3A_6 = arith.subi %sign3A_2, %sign3A_5 : i32
    %sign3A_7 = arith.constant 0 : i32
    %sign3A_8 = arith.cmpi sgt, %jit3A, %sign3A_7 : i32
    %sign3A_9 = arith.extui %sign3A_8 : i1 to i32
    %sign3A_10 = arith.constant 0 : i32
    %sign3A_11 = arith.cmpi slt, %jit3A, %sign3A_10 : i32
    %sign3A_12 = arith.extui %sign3A_11 : i1 to i32
    %sign3A_13 = arith.subi %sign3A_9, %sign3A_12 : i32
    %ne3A = arith.cmpi ne, %sign3A_6, %sign3A_13 : i32
    %rem3A = arith.remsi %add3A, %jit3A : i32
    %ne3A_14 = arith.constant 0 : i32
    %ne3A_15 = arith.cmpi ne, %rem3A, %ne3A_14 : i32
    %and3A = arith.andi %ne3A, %ne3A_15 : i1
    %sub3A = arith.constant 1 : i32
    %sub3A_16 = arith.subi %div3A, %sub3A : i32
    %select_n3A = arith.select %and3A, %sub3A_16, %div3A : i32
    %jit3A_17 = arith.constant 8 : i32
    %eq3A = arith.constant 0 : i32
    %eq3A_18 = arith.cmpi eq, %jit3A_17, %eq3A : i32
    %jit3A_19 = arith.constant 1 : i32
    %select_n3A_20 = arith.select %eq3A_18, %jit3A_19, %jit3A_17 : i32
    %rem3A_21 = arith.remsi %add3A, %select_n3A_20 : i32
    %ne3A_22 = arith.constant 0 : i32
    %ne3A_23 = arith.cmpi ne, %rem3A_21, %ne3A_22 : i32
    %lt3A = arith.constant 0 : i32
    %lt3A_24 = arith.cmpi slt, %rem3A_21, %lt3A : i32
    %lt3A_25 = arith.constant 0 : i32
    %lt3A_26 = arith.cmpi slt, %select_n3A_20, %lt3A_25 : i32
    %ne3A_27 = arith.xori %lt3A_24, %lt3A_26 : i1
    %and3A_28 = arith.andi %ne3A_27, %ne3A_23 : i1
    %add3A_29 = arith.addi %rem3A_21, %select_n3A_20 : i32
    %select_n3A_30 = arith.select %and3A_28, %add3A_29, %rem3A_21 : i32
    %mul3A_31 = arith.constant 512 : i32
    %mul3A_32 = arith.muli %select_n3A_30, %mul3A_31 : i32
    %mul3A_33 = arith.constant 3 : i32
    %mul3A_34 = arith.muli %select_n3A, %mul3A_33 : i32
    %mul3A_35 = arith.constant 4096 : i32
    %mul3A_36 = arith.muli %mul3A_34, %mul3A_35 : i32
    "tpu.region"() ({
      %run_scoped3A = tpu.sem_alloc : memref<!tpu.dma_semaphore, #tpu.memory_space<semaphore_mem>>
      %dma_start3A = tpu.memref_slice %arg2[%mul3A_36] : memref<49152xf32, #tpu.memory_space<hbm>> -> memref<4096xf32, #tpu.memory_space<hbm>>
      %dma_start3A_65 = tpu.memref_slice %arg2[%mul3A_36] : memref<49152xf32, #tpu.memory_space<hbm>> -> memref<4096xf32, #tpu.memory_space<hbm>>
      tpu.enqueue_dma source(%dma_start3A_65 : memref<4096xf32, #tpu.memory_space<hbm>>) target(%arg4 : memref<4096xf32, #tpu.memory_space<vmem>>) target_semaphore(%run_scoped3A : memref<!tpu.dma_semaphore, #tpu.memory_space<semaphore_mem>>)
      %dma_wait3A = tpu.memref_slice %arg2[%mul3A_36] : memref<49152xf32, #tpu.memory_space<hbm>> -> memref<4096xf32, #tpu.memory_space<hbm>>
      %dma_wait3A_66 = tpu.memref_slice %arg2[%mul3A_36] : memref<49152xf32, #tpu.memory_space<hbm>> -> memref<4096xf32, #tpu.memory_space<hbm>>
      tpu.wait_dma2 semaphore(%run_scoped3A : memref<!tpu.dma_semaphore, #tpu.memory_space<semaphore_mem>>) src(%dma_wait3A_66 : memref<4096xf32, #tpu.memory_space<hbm>>) dst(%arg4 : memref<4096xf32, #tpu.memory_space<vmem>>)
      tpu.yield
    }) : () -> ()
    %mul3A_37 = arith.constant 3 : i32
    %mul3A_38 = arith.muli %select_n3A, %mul3A_37 : i32
    %mul3A_39 = arith.constant 4096 : i32
    %mul3A_40 = arith.muli %mul3A_38, %mul3A_39 : i32
    %add3A_41 = arith.constant 4096 : i32
    %add3A_42 = arith.addi %mul3A_40, %add3A_41 : i32
    "tpu.region"() ({
      %run_scoped3A = tpu.sem_alloc : memref<!tpu.dma_semaphore, #tpu.memory_space<semaphore_mem>>
      %dma_start3A = tpu.memref_slice %arg2[%add3A_42] : memref<49152xf32, #tpu.memory_space<hbm>> -> memref<4096xf32, #tpu.memory_space<hbm>>
      %dma_start3A_65 = tpu.memref_slice %arg2[%add3A_42] : memref<49152xf32, #tpu.memory_space<hbm>> -> memref<4096xf32, #tpu.memory_space<hbm>>
      tpu.enqueue_dma source(%dma_start3A_65 : memref<4096xf32, #tpu.memory_space<hbm>>) target(%arg5 : memref<4096xf32, #tpu.memory_space<vmem>>) target_semaphore(%run_scoped3A : memref<!tpu.dma_semaphore, #tpu.memory_space<semaphore_mem>>)
      %dma_wait3A = tpu.memref_slice %arg2[%add3A_42] : memref<49152xf32, #tpu.memory_space<hbm>> -> memref<4096xf32, #tpu.memory_space<hbm>>
      %dma_wait3A_66 = tpu.memref_slice %arg2[%add3A_42] : memref<49152xf32, #tpu.memory_space<hbm>> -> memref<4096xf32, #tpu.memory_space<hbm>>
      tpu.wait_dma2 semaphore(%run_scoped3A : memref<!tpu.dma_semaphore, #tpu.memory_space<semaphore_mem>>) src(%dma_wait3A_66 : memref<4096xf32, #tpu.memory_space<hbm>>) dst(%arg5 : memref<4096xf32, #tpu.memory_space<vmem>>)
      tpu.yield
    }) : () -> ()
    %mul3A_43 = arith.constant 3 : i32
    %mul3A_44 = arith.muli %select_n3A, %mul3A_43 : i32
    %mul3A_45 = arith.constant 4096 : i32
    %mul3A_46 = arith.muli %mul3A_44, %mul3A_45 : i32
    %add3A_47 = arith.constant 8192 : i32
    %add3A_48 = arith.addi %mul3A_46, %add3A_47 : i32
    "tpu.region"() ({
      %run_scoped3A = tpu.sem_alloc : memref<!tpu.dma_semaphore, #tpu.memory_space<semaphore_mem>>
      %dma_start3A = tpu.memref_slice %arg2[%add3A_48] : memref<49152xf32, #tpu.memory_space<hbm>> -> memref<4096xf32, #tpu.memory_space<hbm>>
      %dma_start3A_65 = tpu.memref_slice %arg2[%add3A_48] : memref<49152xf32, #tpu.memory_space<hbm>> -> memref<4096xf32, #tpu.memory_space<hbm>>
      tpu.enqueue_dma source(%dma_start3A_65 : memref<4096xf32, #tpu.memory_space<hbm>>) target(%arg6 : memref<4096xf32, #tpu.memory_space<vmem>>) target_semaphore(%run_scoped3A : memref<!tpu.dma_semaphore, #tpu.memory_space<semaphore_mem>>)
      %dma_wait3A = tpu.memref_slice %arg2[%add3A_48] : memref<49152xf32, #tpu.memory_space<hbm>> -> memref<4096xf32, #tpu.memory_space<hbm>>
      %dma_wait3A_66 = tpu.memref_slice %arg2[%add3A_48] : memref<49152xf32, #tpu.memory_space<hbm>> -> memref<4096xf32, #tpu.memory_space<hbm>>
      tpu.wait_dma2 semaphore(%run_scoped3A : memref<!tpu.dma_semaphore, #tpu.memory_space<semaphore_mem>>) src(%dma_wait3A_66 : memref<4096xf32, #tpu.memory_space<hbm>>) dst(%arg6 : memref<4096xf32, #tpu.memory_space<vmem>>)
      tpu.yield
    }) : () -> ()
    %iota3A = tpu.iota {dimensions = array<i32: 0>} : vector<16xi32>
    %broadcast_in_dim3A = arith.constant 1 : i32
    %broadcast_in_dim3A_49 = vector.broadcast %broadcast_in_dim3A : i32 to vector<16xi32>
    %scan3A = arith.constant 0 : i32
    %scan3A_50 = arith.constant 0 : i32
    %scan3A_51 = arith.constant 256 : i32
    %scan3A_52 = arith.addi %scan3A_50, %scan3A_51 : i32
    %scan3A_53 = arith.constant 1 : i32
    scf.for %scan3A_65 = %scan3A_50 to %scan3A_52 step %scan3A_53  : i32 {
      %mul3A_66 = arith.constant 16 : i32
      %mul3A_67 = arith.muli %scan3A_65, %mul3A_66 : i32
      %get3A = arith.index_cast %mul3A_67 : i32 to index
      %get3A_68 = tpu.vector_load %arg4[%get3A] {strides = array<i32>} : memref<4096xf32, #tpu.memory_space<vmem>>, vector<16xf32>,
      %get3A_69 = arith.index_cast %mul3A_67 : i32 to index
      %get3A_70 = tpu.vector_load %arg5[%get3A_69] {strides = array<i32>} : memref<4096xf32, #tpu.memory_space<vmem>>, vector<16xf32>,
      %get3A_71 = arith.index_cast %mul3A_67 : i32 to index
      %get3A_72 = tpu.vector_load %arg6[%get3A_71] {strides = array<i32>} : memref<4096xf32, #tpu.memory_space<vmem>>, vector<16xf32>,
      %mul3A_73 = arith.mulf %get3A_68, %get3A_68 : vector<16xf32>
      %mul3A_74 = arith.mulf %get3A_70, %get3A_70 : vector<16xf32>
      %add3A_75 = arith.addf %mul3A_73, %mul3A_74 : vector<16xf32>
      %mul3A_76 = arith.mulf %get3A_72, %get3A_72 : vector<16xf32>
      %add3A_77 = arith.addf %add3A_75, %mul3A_76 : vector<16xf32>
      %swap3A = arith.index_cast %mul3A_67 : i32 to index
      %swap3A_78 = tpu.vector_load %arg10[%swap3A] {strides = array<i32>} : memref<4096xf32, #tpu.memory_space<vmem>>, vector<16xf32>,
      tpu.vector_store %arg10[%swap3A], %add3A_77 {strides = array<i32>} : memref<4096xf32, #tpu.memory_space<vmem>>, vector<16xf32>,
      %bitcast_convert_type3A = tpu.bitcast %get3A_68 : vector<16xf32> -> vector<16xi32>
      %add3A_79 = arith.constant 32767 : i32
      %add3A_80 = vector.broadcast %add3A_79 : i32 to vector<16xi32>
      %add3A_81 = arith.addi %bitcast_convert_type3A, %add3A_80 : vector<16xi32>
      %shift_right_logical3A = arith.constant 16 : i32
      %shift_right_logical3A_82 = vector.broadcast %shift_right_logical3A : i32 to vector<16xi32>
      %shift_right_logical3A_83 = arith.shrui %bitcast_convert_type3A, %shift_right_logical3A_82 : vector<16xi32>
      %and3A_84 = arith.constant 1 : i32
      %and3A_85 = vector.broadcast %and3A_84 : i32 to vector<16xi32>
      %and3A_86 = arith.andi %shift_right_logical3A_83, %and3A_85 : vector<16xi32>
      %add3A_87 = arith.addi %add3A_81, %and3A_86 : vector<16xi32>
      %and3A_88 = arith.constant -65536 : i32
      %and3A_89 = vector.broadcast %and3A_88 : i32 to vector<16xi32>
      %and3A_90 = arith.andi %add3A_87, %and3A_89 : vector<16xi32>
      %bitcast_convert_type3A_91 = tpu.bitcast %and3A_90 : vector<16xi32> -> vector<16xf32>
      %swap3A_92 = arith.index_cast %mul3A_67 : i32 to index
      %swap3A_93 = tpu.vector_load %arg7[%swap3A_92] {strides = array<i32>} : memref<4096xf32, #tpu.memory_space<vmem>>, vector<16xf32>,
      tpu.vector_store %arg7[%swap3A_92], %bitcast_convert_type3A_91 {strides = array<i32>} : memref<4096xf32, #tpu.memory_space<vmem>>, vector<16xf32>,
      %bitcast_convert_type3A_94 = tpu.bitcast %get3A_70 : vector<16xf32> -> vector<16xi32>
      %add3A_95 = arith.constant 32767 : i32
      %add3A_96 = vector.broadcast %add3A_95 : i32 to vector<16xi32>
      %add3A_97 = arith.addi %bitcast_convert_type3A_94, %add3A_96 : vector<16xi32>
      %shift_right_logical3A_98 = arith.constant 16 : i32
      %shift_right_logical3A_99 = vector.broadcast %shift_right_logical3A_98 : i32 to vector<16xi32>
      %shift_right_logical3A_100 = arith.shrui %bitcast_convert_type3A_94, %shift_right_logical3A_99 : vector<16xi32>
      %and3A_101 = arith.constant 1 : i32
      %and3A_102 = vector.broadcast %and3A_101 : i32 to vector<16xi32>
      %and3A_103 = arith.andi %shift_right_logical3A_100, %and3A_102 : vector<16xi32>
      %add3A_104 = arith.addi %add3A_97, %and3A_103 : vector<16xi32>
      %and3A_105 = arith.constant -65536 : i32
      %and3A_106 = vector.broadcast %and3A_105 : i32 to vector<16xi32>
      %and3A_107 = arith.andi %add3A_104, %and3A_106 : vector<16xi32>
      %bitcast_convert_type3A_108 = tpu.bitcast %and3A_107 : vector<16xi32> -> vector<16xf32>
      %swap3A_109 = arith.index_cast %mul3A_67 : i32 to index
      %swap3A_110 = tpu.vector_load %arg8[%swap3A_109] {strides = array<i32>} : memref<4096xf32, #tpu.memory_space<vmem>>, vector<16xf32>,
      tpu.vector_store %arg8[%swap3A_109], %bitcast_convert_type3A_108 {strides = array<i32>} : memref<4096xf32, #tpu.memory_space<vmem>>, vector<16xf32>,
      %bitcast_convert_type3A_111 = tpu.bitcast %get3A_72 : vector<16xf32> -> vector<16xi32>
      %add3A_112 = arith.constant 32767 : i32
      %add3A_113 = vector.broadcast %add3A_112 : i32 to vector<16xi32>
      %add3A_114 = arith.addi %bitcast_convert_type3A_111, %add3A_113 : vector<16xi32>
      %shift_right_logical3A_115 = arith.constant 16 : i32
      %shift_right_logical3A_116 = vector.broadcast %shift_right_logical3A_115 : i32 to vector<16xi32>
      %shift_right_logical3A_117 = arith.shrui %bitcast_convert_type3A_111, %shift_right_logical3A_116 : vector<16xi32>
      %and3A_118 = arith.constant 1 : i32
      %and3A_119 = vector.broadcast %and3A_118 : i32 to vector<16xi32>
      %and3A_120 = arith.andi %shift_right_logical3A_117, %and3A_119 : vector<16xi32>
      %add3A_121 = arith.addi %add3A_114, %and3A_120 : vector<16xi32>
      %and3A_122 = arith.constant -65536 : i32
      %and3A_123 = vector.broadcast %and3A_122 : i32 to vector<16xi32>
      %and3A_124 = arith.andi %add3A_121, %and3A_123 : vector<16xi32>
      %bitcast_convert_type3A_125 = tpu.bitcast %and3A_124 : vector<16xi32> -> vector<16xf32>
      %swap3A_126 = arith.index_cast %mul3A_67 : i32 to index
      %swap3A_127 = tpu.vector_load %arg9[%swap3A_126] {strides = array<i32>} : memref<4096xf32, #tpu.memory_space<vmem>>, vector<16xf32>,
      tpu.vector_store %arg9[%swap3A_126], %bitcast_convert_type3A_125 {strides = array<i32>} : memref<4096xf32, #tpu.memory_space<vmem>>, vector<16xf32>,
    }
    %scan3A_54 = arith.constant 256 : i32
    %scan3A_55 = arith.constant 0 : i32
    %scan3A_56 = arith.constant 0 : i32
    %scan3A_57 = arith.constant 64 : i32
    %scan3A_58 = arith.addi %scan3A_56, %scan3A_57 : i32
    %scan3A_59 = arith.constant 1 : i32
    scf.for %scan3A_65 = %scan3A_56 to %scan3A_58 step %scan3A_59  : i32 {
      %mul3A_66 = arith.constant 8 : i32
      %mul3A_67 = arith.muli %scan3A_65, %mul3A_66 : i32
      %add3A_68 = arith.addi %mul3A_32, %mul3A_67 : i32
      %add3A_69 = arith.constant 0 : i32
      %add3A_70 = arith.addi %add3A_68, %add3A_69 : i32
      %broadcast_in_dim3A_71 = vector.broadcast %add3A_70 : i32 to vector<16xi32>
      %gather3A = tpu.vector_load_idx %arg7[%broadcast_in_dim3A_71] : memref<4096xf32, #tpu.memory_space<vmem>>[vector<16xi32>], vector<16xf32>,
      %mul3A_72 = arith.constant -2.000000e+00 : f32
      %mul3A_73 = vector.broadcast %mul3A_72 : f32 to vector<16xf32>
      %mul3A_74 = arith.mulf %mul3A_73, %gather3A : vector<16xf32>
      %gather3A_75 = tpu.vector_load_idx %arg8[%broadcast_in_dim3A_71] : memref<4096xf32, #tpu.memory_space<vmem>>[vector<16xi32>], vector<16xf32>,
      %mul3A_76 = arith.constant -2.000000e+00 : f32
      %mul3A_77 = vector.broadcast %mul3A_76 : f32 to vector<16xf32>
      %mul3A_78 = arith.mulf %mul3A_77, %gather3A_75 : vector<16xf32>
      %gather3A_79 = tpu.vector_load_idx %arg9[%broadcast_in_dim3A_71] : memref<4096xf32, #tpu.memory_space<vmem>>[vector<16xi32>], vector<16xf32>,
      %mul3A_80 = arith.constant -2.000000e+00 : f32
      %mul3A_81 = vector.broadcast %mul3A_80 : f32 to vector<16xf32>
      %mul3A_82 = arith.mulf %mul3A_81, %gather3A_79 : vector<16xf32>
      %gather3A_83 = tpu.vector_load_idx %arg10[%broadcast_in_dim3A_71] : memref<4096xf32, #tpu.memory_space<vmem>>[vector<16xi32>], vector<16xf32>,
      %add3A_84 = arith.constant 1 : i32
      %add3A_85 = arith.addi %add3A_68, %add3A_84 : i32
      %broadcast_in_dim3A_86 = vector.broadcast %add3A_85 : i32 to vector<16xi32>
      %gather3A_87 = tpu.vector_load_idx %arg7[%broadcast_in_dim3A_86] : memref<4096xf32, #tpu.memory_space<vmem>>[vector<16xi32>], vector<16xf32>,
      %mul3A_88 = arith.constant -2.000000e+00 : f32
      %mul3A_89 = vector.broadcast %mul3A_88 : f32 to vector<16xf32>
      %mul3A_90 = arith.mulf %mul3A_89, %gather3A_87 : vector<16xf32>
      %gather3A_91 = tpu.vector_load_idx %arg8[%broadcast_in_dim3A_86] : memref<4096xf32, #tpu.memory_space<vmem>>[vector<16xi32>], vector<16xf32>,
      %mul3A_92 = arith.constant -2.000000e+00 : f32
      %mul3A_93 = vector.broadcast %mul3A_92 : f32 to vector<16xf32>
      %mul3A_94 = arith.mulf %mul3A_93, %gather3A_91 : vector<16xf32>
      %gather3A_95 = tpu.vector_load_idx %arg9[%broadcast_in_dim3A_86] : memref<4096xf32, #tpu.memory_space<vmem>>[vector<16xi32>], vector<16xf32>,
      %mul3A_96 = arith.constant -2.000000e+00 : f32
      %mul3A_97 = vector.broadcast %mul3A_96 : f32 to vector<16xf32>
      %mul3A_98 = arith.mulf %mul3A_97, %gather3A_95 : vector<16xf32>
      %gather3A_99 = tpu.vector_load_idx %arg10[%broadcast_in_dim3A_86] : memref<4096xf32, #tpu.memory_space<vmem>>[vector<16xi32>], vector<16xf32>,
      %add3A_100 = arith.constant 2 : i32
      %add3A_101 = arith.addi %add3A_68, %add3A_100 : i32
      %broadcast_in_dim3A_102 = vector.broadcast %add3A_101 : i32 to vector<16xi32>
      %gather3A_103 = tpu.vector_load_idx %arg7[%broadcast_in_dim3A_102] : memref<4096xf32, #tpu.memory_space<vmem>>[vector<16xi32>], vector<16xf32>,
      %mul3A_104 = arith.constant -2.000000e+00 : f32
      %mul3A_105 = vector.broadcast %mul3A_104 : f32 to vector<16xf32>
      %mul3A_106 = arith.mulf %mul3A_105, %gather3A_103 : vector<16xf32>
      %gather3A_107 = tpu.vector_load_idx %arg8[%broadcast_in_dim3A_102] : memref<4096xf32, #tpu.memory_space<vmem>>[vector<16xi32>], vector<16xf32>,
      %mul3A_108 = arith.constant -2.000000e+00 : f32
      %mul3A_109 = vector.broadcast %mul3A_108 : f32 to vector<16xf32>
      %mul3A_110 = arith.mulf %mul3A_109, %gather3A_107 : vector<16xf32>
      %gather3A_111 = tpu.vector_load_idx %arg9[%broadcast_in_dim3A_102] : memref<4096xf32, #tpu.memory_space<vmem>>[vector<16xi32>], vector<16xf32>,
      %mul3A_112 = arith.constant -2.000000e+00 : f32
      %mul3A_113 = vector.broadcast %mul3A_112 : f32 to vector<16xf32>
      %mul3A_114 = arith.mulf %mul3A_113, %gather3A_111 : vector<16xf32>
      %gather3A_115 = tpu.vector_load_idx %arg10[%broadcast_in_dim3A_102] : memref<4096xf32, #tpu.memory_space<vmem>>[vector<16xi32>], vector<16xf32>,
      %add3A_116 = arith.constant 3 : i32
      %add3A_117 = arith.addi %add3A_68, %add3A_116 : i32
      %broadcast_in_dim3A_118 = vector.broadcast %add3A_117 : i32 to vector<16xi32>
      %gather3A_119 = tpu.vector_load_idx %arg7[%broadcast_in_dim3A_118] : memref<4096xf32, #tpu.memory_space<vmem>>[vector<16xi32>], vector<16xf32>,
      %mul3A_120 = arith.constant -2.000000e+00 : f32
      %mul3A_121 = vector.broadcast %mul3A_120 : f32 to vector<16xf32>
      %mul3A_122 = arith.mulf %mul3A_121, %gather3A_119 : vector<16xf32>
      %gather3A_123 = tpu.vector_load_idx %arg8[%broadcast_in_dim3A_118] : memref<4096xf32, #tpu.memory_space<vmem>>[vector<16xi32>], vector<16xf32>,
      %mul3A_124 = arith.constant -2.000000e+00 : f32
      %mul3A_125 = vector.broadcast %mul3A_124 : f32 to vector<16xf32>
      %mul3A_126 = arith.mulf %mul3A_125, %gather3A_123 : vector<16xf32>
      %gather3A_127 = tpu.vector_load_idx %arg9[%broadcast_in_dim3A_118] : memref<4096xf32, #tpu.memory_space<vmem>>[vector<16xi32>], vector<16xf32>,
      %mul3A_128 = arith.constant -2.000000e+00 : f32
      %mul3A_129 = vector.broadcast %mul3A_128 : f32 to vector<16xf32>
      %mul3A_130 = arith.mulf %mul3A_129, %gather3A_127 : vector<16xf32>
      %gather3A_131 = tpu.vector_load_idx %arg10[%broadcast_in_dim3A_118] : memref<4096xf32, #tpu.memory_space<vmem>>[vector<16xi32>], vector<16xf32>,
      %add3A_132 = arith.constant 4 : i32
      %add3A_133 = arith.addi %add3A_68, %add3A_132 : i32
      %broadcast_in_dim3A_134 = vector.broadcast %add3A_133 : i32 to vector<16xi32>
      %gather3A_135 = tpu.vector_load_idx %arg7[%broadcast_in_dim3A_134] : memref<4096xf32, #tpu.memory_space<vmem>>[vector<16xi32>], vector<16xf32>,
      %mul3A_136 = arith.constant -2.000000e+00 : f32
      %mul3A_137 = vector.broadcast %mul3A_136 : f32 to vector<16xf32>
      %mul3A_138 = arith.mulf %mul3A_137, %gather3A_135 : vector<16xf32>
      %gather3A_139 = tpu.vector_load_idx %arg8[%broadcast_in_dim3A_134] : memref<4096xf32, #tpu.memory_space<vmem>>[vector<16xi32>], vector<16xf32>,
      %mul3A_140 = arith.constant -2.000000e+00 : f32
      %mul3A_141 = vector.broadcast %mul3A_140 : f32 to vector<16xf32>
      %mul3A_142 = arith.mulf %mul3A_141, %gather3A_139 : vector<16xf32>
      %gather3A_143 = tpu.vector_load_idx %arg9[%broadcast_in_dim3A_134] : memref<4096xf32, #tpu.memory_space<vmem>>[vector<16xi32>], vector<16xf32>,
      %mul3A_144 = arith.constant -2.000000e+00 : f32
      %mul3A_145 = vector.broadcast %mul3A_144 : f32 to vector<16xf32>
      %mul3A_146 = arith.mulf %mul3A_145, %gather3A_143 : vector<16xf32>
      %gather3A_147 = tpu.vector_load_idx %arg10[%broadcast_in_dim3A_134] : memref<4096xf32, #tpu.memory_space<vmem>>[vector<16xi32>], vector<16xf32>,
      %add3A_148 = arith.constant 5 : i32
      %add3A_149 = arith.addi %add3A_68, %add3A_148 : i32
      %broadcast_in_dim3A_150 = vector.broadcast %add3A_149 : i32 to vector<16xi32>
      %gather3A_151 = tpu.vector_load_idx %arg7[%broadcast_in_dim3A_150] : memref<4096xf32, #tpu.memory_space<vmem>>[vector<16xi32>], vector<16xf32>,
      %mul3A_152 = arith.constant -2.000000e+00 : f32
      %mul3A_153 = vector.broadcast %mul3A_152 : f32 to vector<16xf32>
      %mul3A_154 = arith.mulf %mul3A_153, %gather3A_151 : vector<16xf32>
      %gather3A_155 = tpu.vector_load_idx %arg8[%broadcast_in_dim3A_150] : memref<4096xf32, #tpu.memory_space<vmem>>[vector<16xi32>], vector<16xf32>,
      %mul3A_156 = arith.constant -2.000000e+00 : f32
      %mul3A_157 = vector.broadcast %mul3A_156 : f32 to vector<16xf32>
      %mul3A_158 = arith.mulf %mul3A_157, %gather3A_155 : vector<16xf32>
      %gather3A_159 = tpu.vector_load_idx %arg9[%broadcast_in_dim3A_150] : memref<4096xf32, #tpu.memory_space<vmem>>[vector<16xi32>], vector<16xf32>,
      %mul3A_160 = arith.constant -2.000000e+00 : f32
      %mul3A_161 = vector.broadcast %mul3A_160 : f32 to vector<16xf32>
      %mul3A_162 = arith.mulf %mul3A_161, %gather3A_159 : vector<16xf32>
      %gather3A_163 = tpu.vector_load_idx %arg10[%broadcast_in_dim3A_150] : memref<4096xf32, #tpu.memory_space<vmem>>[vector<16xi32>], vector<16xf32>,
      %add3A_164 = arith.constant 6 : i32
      %add3A_165 = arith.addi %add3A_68, %add3A_164 : i32
      %broadcast_in_dim3A_166 = vector.broadcast %add3A_165 : i32 to vector<16xi32>
      %gather3A_167 = tpu.vector_load_idx %arg7[%broadcast_in_dim3A_166] : memref<4096xf32, #tpu.memory_space<vmem>>[vector<16xi32>], vector<16xf32>,
      %mul3A_168 = arith.constant -2.000000e+00 : f32
      %mul3A_169 = vector.broadcast %mul3A_168 : f32 to vector<16xf32>
      %mul3A_170 = arith.mulf %mul3A_169, %gather3A_167 : vector<16xf32>
      %gather3A_171 = tpu.vector_load_idx %arg8[%broadcast_in_dim3A_166] : memref<4096xf32, #tpu.memory_space<vmem>>[vector<16xi32>], vector<16xf32>,
      %mul3A_172 = arith.constant -2.000000e+00 : f32
      %mul3A_173 = vector.broadcast %mul3A_172 : f32 to vector<16xf32>
      %mul3A_174 = arith.mulf %mul3A_173, %gather3A_171 : vector<16xf32>
      %gather3A_175 = tpu.vector_load_idx %arg9[%broadcast_in_dim3A_166] : memref<4096xf32, #tpu.memory_space<vmem>>[vector<16xi32>], vector<16xf32>,
      %mul3A_176 = arith.constant -2.000000e+00 : f32
      %mul3A_177 = vector.broadcast %mul3A_176 : f32 to vector<16xf32>
      %mul3A_178 = arith.mulf %mul3A_177, %gather3A_175 : vector<16xf32>
      %gather3A_179 = tpu.vector_load_idx %arg10[%broadcast_in_dim3A_166] : memref<4096xf32, #tpu.memory_space<vmem>>[vector<16xi32>], vector<16xf32>,
      %add3A_180 = arith.constant 7 : i32
      %add3A_181 = arith.addi %add3A_68, %add3A_180 : i32
      %broadcast_in_dim3A_182 = vector.broadcast %add3A_181 : i32 to vector<16xi32>
      %gather3A_183 = tpu.vector_load_idx %arg7[%broadcast_in_dim3A_182] : memref<4096xf32, #tpu.memory_space<vmem>>[vector<16xi32>], vector<16xf32>,
      %mul3A_184 = arith.constant -2.000000e+00 : f32
      %mul3A_185 = vector.broadcast %mul3A_184 : f32 to vector<16xf32>
      %mul3A_186 = arith.mulf %mul3A_185, %gather3A_183 : vector<16xf32>
      %gather3A_187 = tpu.vector_load_idx %arg8[%broadcast_in_dim3A_182] : memref<4096xf32, #tpu.memory_space<vmem>>[vector<16xi32>], vector<16xf32>,
      %mul3A_188 = arith.constant -2.000000e+00 : f32
      %mul3A_189 = vector.broadcast %mul3A_188 : f32 to vector<16xf32>
      %mul3A_190 = arith.mulf %mul3A_189, %gather3A_187 : vector<16xf32>
      %gather3A_191 = tpu.vector_load_idx %arg9[%broadcast_in_dim3A_182] : memref<4096xf32, #tpu.memory_space<vmem>>[vector<16xi32>], vector<16xf32>,
      %mul3A_192 = arith.constant -2.000000e+00 : f32
      %mul3A_193 = vector.broadcast %mul3A_192 : f32 to vector<16xf32>
      %mul3A_194 = arith.mulf %mul3A_193, %gather3A_191 : vector<16xf32>
      %gather3A_195 = tpu.vector_load_idx %arg10[%broadcast_in_dim3A_182] : memref<4096xf32, #tpu.memory_space<vmem>>[vector<16xi32>], vector<16xf32>,
      %broadcast_in_dim3A_196 = arith.constant -1 : i32
      %broadcast_in_dim3A_197 = vector.broadcast %broadcast_in_dim3A_196 : i32 to vector<16xi32>
      %broadcast_in_dim3A_198 = arith.constant 4095 : i32
      %broadcast_in_dim3A_199 = vector.broadcast %broadcast_in_dim3A_198 : i32 to vector<16xi32>
      %broadcast_in_dim3A_200 = arith.constant 8191 : i32
      %broadcast_in_dim3A_201 = vector.broadcast %broadcast_in_dim3A_200 : i32 to vector<16xi32>
      %broadcast_in_dim3A_202 = arith.constant 12287 : i32
      %broadcast_in_dim3A_203 = vector.broadcast %broadcast_in_dim3A_202 : i32 to vector<16xi32>
      %broadcast_in_dim3A_204 = arith.constant 16383 : i32
      %broadcast_in_dim3A_205 = vector.broadcast %broadcast_in_dim3A_204 : i32 to vector<16xi32>
      %broadcast_in_dim3A_206 = arith.constant 20479 : i32
      %broadcast_in_dim3A_207 = vector.broadcast %broadcast_in_dim3A_206 : i32 to vector<16xi32>
      %broadcast_in_dim3A_208 = arith.constant 24575 : i32
      %broadcast_in_dim3A_209 = vector.broadcast %broadcast_in_dim3A_208 : i32 to vector<16xi32>
      %broadcast_in_dim3A_210 = arith.constant 28671 : i32
      %broadcast_in_dim3A_211 = vector.broadcast %broadcast_in_dim3A_210 : i32 to vector<16xi32>
      %scan3A_212 = arith.constant 0 : i32
      %scan3A_213 = arith.constant 256 : i32
      %scan3A_214 = arith.addi %scan3A_212, %scan3A_213 : i32
      %scan3A_215 = arith.constant 1 : i32
      %scan3A_216:8 = scf.for %scan3A_806 = %scan3A_212 to %scan3A_214 step %scan3A_215 iter_args(%scan3A_807 = %broadcast_in_dim3A_197, %scan3A_808 = %broadcast_in_dim3A_199, %scan3A_809 = %broadcast_in_dim3A_201, %scan3A_810 = %broadcast_in_dim3A_203, %scan3A_811 = %broadcast_in_dim3A_205, %scan3A_812 = %broadcast_in_dim3A_207, %scan3A_813 = %broadcast_in_dim3A_209, %scan3A_814 = %broadcast_in_dim3A_211) -> (vector<16xi32>, vector<16xi32>, vector<16xi32>, vector<16xi32>, vector<16xi32>, vector<16xi32>, vector<16xi32>, vector<16xi32>)  : i32 {
        %mul3A_815 = arith.constant 16 : i32
        %mul3A_816 = arith.muli %scan3A_806, %mul3A_815 : i32
        %get3A_817 = arith.index_cast %mul3A_816 : i32 to index
        %get3A_818 = tpu.vector_load %arg7[%get3A_817] {strides = array<i32>} : memref<4096xf32, #tpu.memory_space<vmem>>, vector<16xf32>,
        %get3A_819 = arith.index_cast %mul3A_816 : i32 to index
        %get3A_820 = tpu.vector_load %arg8[%get3A_819] {strides = array<i32>} : memref<4096xf32, #tpu.memory_space<vmem>>, vector<16xf32>,
        %get3A_821 = arith.index_cast %mul3A_816 : i32 to index
        %get3A_822 = tpu.vector_load %arg9[%get3A_821] {strides = array<i32>} : memref<4096xf32, #tpu.memory_space<vmem>>, vector<16xf32>,
        %get3A_823 = arith.index_cast %mul3A_816 : i32 to index
        %get3A_824 = tpu.vector_load %arg10[%get3A_823] {strides = array<i32>} : memref<4096xf32, #tpu.memory_space<vmem>>, vector<16xf32>,
        %mul3A_825 = arith.constant 16 : i32
        %mul3A_826 = arith.muli %scan3A_806, %mul3A_825 : i32
        %add3A_827 = vector.broadcast %mul3A_826 : i32 to vector<16xi32>
        %add3A_828 = arith.addi %iota3A, %add3A_827 : vector<16xi32>
        %mul3A_829 = arith.mulf %get3A_818, %mul3A_74 : vector<16xf32>
        %mul3A_830 = arith.mulf %get3A_820, %mul3A_78 : vector<16xf32>
        %add3A_831 = arith.addf %mul3A_829, %mul3A_830 : vector<16xf32>
        %mul3A_832 = arith.mulf %get3A_822, %mul3A_82 : vector<16xf32>
        %add3A_833 = arith.addf %add3A_831, %mul3A_832 : vector<16xf32>
        %add3A_834 = arith.addf %add3A_833, %gather3A_83 : vector<16xf32>
        %add3A_835 = arith.addf %add3A_834, %get3A_824 : vector<16xf32>
        %le3A = arith.constant 2.250000e-02 : f32
        %le3A_836 = vector.broadcast %le3A : f32 to vector<16xf32>
        %le3A_837 = arith.cmpf ole, %add3A_835, %le3A_836 : vector<16xf32>
        %masked_cumsum3A = tpu.scan <sum>, %broadcast_in_dim3A_49 masked %le3A_837 : vector<16xi32>, vector<16xi1> -> vector<16xi32>
        %add3A_838 = arith.addi %scan3A_807, %masked_cumsum3A : vector<16xi32>
        tpu.vector_store_idx %arg11[%add3A_838], %add3A_828 masked %le3A_837 : memref<32768xi32, #tpu.memory_space<vmem>>[vector<16xi32>], vector<16xi32>, vector<16xi1>
        %all_reduce_population_count3A = tpu.all_reduce %le3A_837 {dim = 0 : i64, kind = #tpu.reduction_kind<sum>} : vector<16xi1> -> vector<16xi32>
        %add3A_839 = arith.addi %scan3A_807, %all_reduce_population_count3A : vector<16xi32>
        %mul3A_840 = arith.mulf %get3A_818, %mul3A_90 : vector<16xf32>
        %mul3A_841 = arith.mulf %get3A_820, %mul3A_94 : vector<16xf32>
        %add3A_842 = arith.addf %mul3A_840, %mul3A_841 : vector<16xf32>
        %mul3A_843 = arith.mulf %get3A_822, %mul3A_98 : vector<16xf32>
        %add3A_844 = arith.addf %add3A_842, %mul3A_843 : vector<16xf32>
        %add3A_845 = arith.addf %add3A_844, %gather3A_99 : vector<16xf32>
        %add3A_846 = arith.addf %add3A_845, %get3A_824 : vector<16xf32>
        %le3A_847 = arith.constant 2.250000e-02 : f32
        %le3A_848 = vector.broadcast %le3A_847 : f32 to vector<16xf32>
        %le3A_849 = arith.cmpf ole, %add3A_846, %le3A_848 : vector<16xf32>
        %masked_cumsum3A_850 = tpu.scan <sum>, %broadcast_in_dim3A_49 masked %le3A_849 : vector<16xi32>, vector<16xi1> -> vector<16xi32>
        %add3A_851 = arith.addi %scan3A_808, %masked_cumsum3A_850 : vector<16xi32>
        tpu.vector_store_idx %arg11[%add3A_851], %add3A_828 masked %le3A_849 : memref<32768xi32, #tpu.memory_space<vmem>>[vector<16xi32>], vector<16xi32>, vector<16xi1>
        %all_reduce_population_count3A_852 = tpu.all_reduce %le3A_849 {dim = 0 : i64, kind = #tpu.reduction_kind<sum>} : vector<16xi1> -> vector<16xi32>
        %add3A_853 = arith.addi %scan3A_808, %all_reduce_population_count3A_852 : vector<16xi32>
        %mul3A_854 = arith.mulf %get3A_818, %mul3A_106 : vector<16xf32>
        %mul3A_855 = arith.mulf %get3A_820, %mul3A_110 : vector<16xf32>
        %add3A_856 = arith.addf %mul3A_854, %mul3A_855 : vector<16xf32>
        %mul3A_857 = arith.mulf %get3A_822, %mul3A_114 : vector<16xf32>
        %add3A_858 = arith.addf %add3A_856, %mul3A_857 : vector<16xf32>
        %add3A_859 = arith.addf %add3A_858, %gather3A_115 : vector<16xf32>
        %add3A_860 = arith.addf %add3A_859, %get3A_824 : vector<16xf32>
        %le3A_861 = arith.constant 2.250000e-02 : f32
        %le3A_862 = vector.broadcast %le3A_861 : f32 to vector<16xf32>
        %le3A_863 = arith.cmpf ole, %add3A_860, %le3A_862 : vector<16xf32>
        %masked_cumsum3A_864 = tpu.scan <sum>, %broadcast_in_dim3A_49 masked %le3A_863 : vector<16xi32>, vector<16xi1> -> vector<16xi32>
        %add3A_865 = arith.addi %scan3A_809, %masked_cumsum3A_864 : vector<16xi32>
        tpu.vector_store_idx %arg11[%add3A_865], %add3A_828 masked %le3A_863 : memref<32768xi32, #tpu.memory_space<vmem>>[vector<16xi32>], vector<16xi32>, vector<16xi1>
        %all_reduce_population_count3A_866 = tpu.all_reduce %le3A_863 {dim = 0 : i64, kind = #tpu.reduction_kind<sum>} : vector<16xi1> -> vector<16xi32>
        %add3A_867 = arith.addi %scan3A_809, %all_reduce_population_count3A_866 : vector<16xi32>
        %mul3A_868 = arith.mulf %get3A_818, %mul3A_122 : vector<16xf32>
        %mul3A_869 = arith.mulf %get3A_820, %mul3A_126 : vector<16xf32>
        %add3A_870 = arith.addf %mul3A_868, %mul3A_869 : vector<16xf32>
        %mul3A_871 = arith.mulf %get3A_822, %mul3A_130 : vector<16xf32>
        %add3A_872 = arith.addf %add3A_870, %mul3A_871 : vector<16xf32>
        %add3A_873 = arith.addf %add3A_872, %gather3A_131 : vector<16xf32>
        %add3A_874 = arith.addf %add3A_873, %get3A_824 : vector<16xf32>
        %le3A_875 = arith.constant 2.250000e-02 : f32
        %le3A_876 = vector.broadcast %le3A_875 : f32 to vector<16xf32>
        %le3A_877 = arith.cmpf ole, %add3A_874, %le3A_876 : vector<16xf32>
        %masked_cumsum3A_878 = tpu.scan <sum>, %broadcast_in_dim3A_49 masked %le3A_877 : vector<16xi32>, vector<16xi1> -> vector<16xi32>
        %add3A_879 = arith.addi %scan3A_810, %masked_cumsum3A_878 : vector<16xi32>
        tpu.vector_store_idx %arg11[%add3A_879], %add3A_828 masked %le3A_877 : memref<32768xi32, #tpu.memory_space<vmem>>[vector<16xi32>], vector<16xi32>, vector<16xi1>
        %all_reduce_population_count3A_880 = tpu.all_reduce %le3A_877 {dim = 0 : i64, kind = #tpu.reduction_kind<sum>} : vector<16xi1> -> vector<16xi32>
        %add3A_881 = arith.addi %scan3A_810, %all_reduce_population_count3A_880 : vector<16xi32>
        %mul3A_882 = arith.mulf %get3A_818, %mul3A_138 : vector<16xf32>
        %mul3A_883 = arith.mulf %get3A_820, %mul3A_142 : vector<16xf32>
        %add3A_884 = arith.addf %mul3A_882, %mul3A_883 : vector<16xf32>
        %mul3A_885 = arith.mulf %get3A_822, %mul3A_146 : vector<16xf32>
        %add3A_886 = arith.addf %add3A_884, %mul3A_885 : vector<16xf32>
        %add3A_887 = arith.addf %add3A_886, %gather3A_147 : vector<16xf32>
        %add3A_888 = arith.addf %add3A_887, %get3A_824 : vector<16xf32>
        %le3A_889 = arith.constant 2.250000e-02 : f32
        %le3A_890 = vector.broadcast %le3A_889 : f32 to vector<16xf32>
        %le3A_891 = arith.cmpf ole, %add3A_888, %le3A_890 : vector<16xf32>
        %masked_cumsum3A_892 = tpu.scan <sum>, %broadcast_in_dim3A_49 masked %le3A_891 : vector<16xi32>, vector<16xi1> -> vector<16xi32>
        %add3A_893 = arith.addi %scan3A_811, %masked_cumsum3A_892 : vector<16xi32>
        tpu.vector_store_idx %arg11[%add3A_893], %add3A_828 masked %le3A_891 : memref<32768xi32, #tpu.memory_space<vmem>>[vector<16xi32>], vector<16xi32>, vector<16xi1>
        %all_reduce_population_count3A_894 = tpu.all_reduce %le3A_891 {dim = 0 : i64, kind = #tpu.reduction_kind<sum>} : vector<16xi1> -> vector<16xi32>
        %add3A_895 = arith.addi %scan3A_811, %all_reduce_population_count3A_894 : vector<16xi32>
        %mul3A_896 = arith.mulf %get3A_818, %mul3A_154 : vector<16xf32>
        %mul3A_897 = arith.mulf %get3A_820, %mul3A_158 : vector<16xf32>
        %add3A_898 = arith.addf %mul3A_896, %mul3A_897 : vector<16xf32>
        %mul3A_899 = arith.mulf %get3A_822, %mul3A_162 : vector<16xf32>
        %add3A_900 = arith.addf %add3A_898, %mul3A_899 : vector<16xf32>
        %add3A_901 = arith.addf %add3A_900, %gather3A_163 : vector<16xf32>
        %add3A_902 = arith.addf %add3A_901, %get3A_824 : vector<16xf32>
        %le3A_903 = arith.constant 2.250000e-02 : f32
        %le3A_904 = vector.broadcast %le3A_903 : f32 to vector<16xf32>
        %le3A_905 = arith.cmpf ole, %add3A_902, %le3A_904 : vector<16xf32>
        %masked_cumsum3A_906 = tpu.scan <sum>, %broadcast_in_dim3A_49 masked %le3A_905 : vector<16xi32>, vector<16xi1> -> vector<16xi32>
        %add3A_907 = arith.addi %scan3A_812, %masked_cumsum3A_906 : vector<16xi32>
        tpu.vector_store_idx %arg11[%add3A_907], %add3A_828 masked %le3A_905 : memref<32768xi32, #tpu.memory_space<vmem>>[vector<16xi32>], vector<16xi32>, vector<16xi1>
        %all_reduce_population_count3A_908 = tpu.all_reduce %le3A_905 {dim = 0 : i64, kind = #tpu.reduction_kind<sum>} : vector<16xi1> -> vector<16xi32>
        %add3A_909 = arith.addi %scan3A_812, %all_reduce_population_count3A_908 : vector<16xi32>
        %mul3A_910 = arith.mulf %get3A_818, %mul3A_170 : vector<16xf32>
        %mul3A_911 = arith.mulf %get3A_820, %mul3A_174 : vector<16xf32>
        %add3A_912 = arith.addf %mul3A_910, %mul3A_911 : vector<16xf32>
        %mul3A_913 = arith.mulf %get3A_822, %mul3A_178 : vector<16xf32>
        %add3A_914 = arith.addf %add3A_912, %mul3A_913 : vector<16xf32>
        %add3A_915 = arith.addf %add3A_914, %gather3A_179 : vector<16xf32>
        %add3A_916 = arith.addf %add3A_915, %get3A_824 : vector<16xf32>
        %le3A_917 = arith.constant 2.250000e-02 : f32
        %le3A_918 = vector.broadcast %le3A_917 : f32 to vector<16xf32>
        %le3A_919 = arith.cmpf ole, %add3A_916, %le3A_918 : vector<16xf32>
        %masked_cumsum3A_920 = tpu.scan <sum>, %broadcast_in_dim3A_49 masked %le3A_919 : vector<16xi32>, vector<16xi1> -> vector<16xi32>
        %add3A_921 = arith.addi %scan3A_813, %masked_cumsum3A_920 : vector<16xi32>
        tpu.vector_store_idx %arg11[%add3A_921], %add3A_828 masked %le3A_919 : memref<32768xi32, #tpu.memory_space<vmem>>[vector<16xi32>], vector<16xi32>, vector<16xi1>
        %all_reduce_population_count3A_922 = tpu.all_reduce %le3A_919 {dim = 0 : i64, kind = #tpu.reduction_kind<sum>} : vector<16xi1> -> vector<16xi32>
        %add3A_923 = arith.addi %scan3A_813, %all_reduce_population_count3A_922 : vector<16xi32>
        %mul3A_924 = arith.mulf %get3A_818, %mul3A_186 : vector<16xf32>
        %mul3A_925 = arith.mulf %get3A_820, %mul3A_190 : vector<16xf32>
        %add3A_926 = arith.addf %mul3A_924, %mul3A_925 : vector<16xf32>
        %mul3A_927 = arith.mulf %get3A_822, %mul3A_194 : vector<16xf32>
        %add3A_928 = arith.addf %add3A_926, %mul3A_927 : vector<16xf32>
        %add3A_929 = arith.addf %add3A_928, %gather3A_195 : vector<16xf32>
        %add3A_930 = arith.addf %add3A_929, %get3A_824 : vector<16xf32>
        %le3A_931 = arith.constant 2.250000e-02 : f32
        %le3A_932 = vector.broadcast %le3A_931 : f32 to vector<16xf32>
        %le3A_933 = arith.cmpf ole, %add3A_930, %le3A_932 : vector<16xf32>
        %masked_cumsum3A_934 = tpu.scan <sum>, %broadcast_in_dim3A_49 masked %le3A_933 : vector<16xi32>, vector<16xi1> -> vector<16xi32>
        %add3A_935 = arith.addi %scan3A_814, %masked_cumsum3A_934 : vector<16xi32>
        tpu.vector_store_idx %arg11[%add3A_935], %add3A_828 masked %le3A_933 : memref<32768xi32, #tpu.memory_space<vmem>>[vector<16xi32>], vector<16xi32>, vector<16xi1>
        %all_reduce_population_count3A_936 = tpu.all_reduce %le3A_933 {dim = 0 : i64, kind = #tpu.reduction_kind<sum>} : vector<16xi1> -> vector<16xi32>
        %add3A_937 = arith.addi %scan3A_814, %all_reduce_population_count3A_936 : vector<16xi32>
        scf.yield %add3A_839, %add3A_853, %add3A_867, %add3A_881, %add3A_895, %add3A_909, %add3A_923, %add3A_937 : vector<16xi32>, vector<16xi32>, vector<16xi32>, vector<16xi32>, vector<16xi32>, vector<16xi32>, vector<16xi32>, vector<16xi32>
      }
      %scan3A_217 = arith.constant 256 : i32
      %sub3A_218 = arith.constant -1 : i32
      %sub3A_219 = vector.broadcast %sub3A_218 : i32 to vector<16xi32>
      %sub3A_220 = arith.subi %scan3A_216#0, %sub3A_219 : vector<16xi32>
      %get3A = arith.constant 0 : index
      %get3A_221 = tpu.vector_load %arg11[%get3A] {strides = array<i32>} : memref<32768xi32, #tpu.memory_space<vmem>>, vector<16xi32>,
      %slice3A = vector.extract_strided_slice %get3A_221 {offsets = [0], sizes = [1], strides = [1]} : vector<16xi32> to vector<1xi32>
      %squeeze3A = vector.extract %slice3A[0] : i32 from vector<1xi32>
      %broadcast_in_dim3A_222 = vector.broadcast %squeeze3A : i32 to vector<16xi32>
      %add3A_223 = arith.constant 0 : i32
      %add3A_224 = vector.broadcast %add3A_223 : i32 to vector<16xi32>
      %add3A_225 = arith.addi %iota3A, %add3A_224 : vector<16xi32>
      %lt3A_226 = arith.cmpi slt, %add3A_225, %sub3A_220 : vector<16xi32>
      %select_n3A_227 = arith.select %lt3A_226, %get3A_221, %broadcast_in_dim3A_222 : vector<16xi1>, vector<16xi32>
      %mul3A_228 = arith.constant 8 : i32
      %mul3A_229 = arith.muli %scan3A_65, %mul3A_228 : i32
      %add3A_230 = arith.constant 0 : i32
      %add3A_231 = arith.addi %mul3A_229, %add3A_230 : i32
      %mul3A_232 = arith.constant 64 : i32
      %mul3A_233 = arith.muli %add3A_231, %mul3A_232 : i32
      %add3A_234 = arith.constant 0 : i32
      %add3A_235 = arith.addi %mul3A_233, %add3A_234 : i32
      %swap3A = arith.index_cast %add3A_235 : i32 to index
      %swap3A_236 = tpu.vector_load %arg12[%swap3A] {strides = array<i32>} : memref<32768xi32, #tpu.memory_space<vmem>>, vector<16xi32>,
      tpu.vector_store %arg12[%swap3A], %select_n3A_227 {strides = array<i32>} : memref<32768xi32, #tpu.memory_space<vmem>>, vector<16xi32>,
      %get3A_237 = arith.constant 16 : index
      %get3A_238 = tpu.vector_load %arg11[%get3A_237] {strides = array<i32>} : memref<32768xi32, #tpu.memory_space<vmem>>, vector<16xi32>,
      %add3A_239 = arith.constant 16 : i32
      %add3A_240 = vector.broadcast %add3A_239 : i32 to vector<16xi32>
      %add3A_241 = arith.addi %iota3A, %add3A_240 : vector<16xi32>
      %lt3A_242 = arith.cmpi slt, %add3A_241, %sub3A_220 : vector<16xi32>
      %select_n3A_243 = arith.select %lt3A_242, %get3A_238, %broadcast_in_dim3A_222 : vector<16xi1>, vector<16xi32>
      %mul3A_244 = arith.constant 8 : i32
      %mul3A_245 = arith.muli %scan3A_65, %mul3A_244 : i32
      %add3A_246 = arith.constant 0 : i32
      %add3A_247 = arith.addi %mul3A_245, %add3A_246 : i32
      %mul3A_248 = arith.constant 64 : i32
      %mul3A_249 = arith.muli %add3A_247, %mul3A_248 : i32
      %add3A_250 = arith.constant 16 : i32
      %add3A_251 = arith.addi %mul3A_249, %add3A_250 : i32
      %swap3A_252 = arith.index_cast %add3A_251 : i32 to index
      %swap3A_253 = tpu.vector_load %arg12[%swap3A_252] {strides = array<i32>} : memref<32768xi32, #tpu.memory_space<vmem>>, vector<16xi32>,
      tpu.vector_store %arg12[%swap3A_252], %select_n3A_243 {strides = array<i32>} : memref<32768xi32, #tpu.memory_space<vmem>>, vector<16xi32>,
      %get3A_254 = arith.constant 32 : index
      %get3A_255 = tpu.vector_load %arg11[%get3A_254] {strides = array<i32>} : memref<32768xi32, #tpu.memory_space<vmem>>, vector<16xi32>,
      %add3A_256 = arith.constant 32 : i32
      %add3A_257 = vector.broadcast %add3A_256 : i32 to vector<16xi32>
      %add3A_258 = arith.addi %iota3A, %add3A_257 : vector<16xi32>
      %lt3A_259 = arith.cmpi slt, %add3A_258, %sub3A_220 : vector<16xi32>
      %select_n3A_260 = arith.select %lt3A_259, %get3A_255, %broadcast_in_dim3A_222 : vector<16xi1>, vector<16xi32>
      %mul3A_261 = arith.constant 8 : i32
      %mul3A_262 = arith.muli %scan3A_65, %mul3A_261 : i32
      %add3A_263 = arith.constant 0 : i32
      %add3A_264 = arith.addi %mul3A_262, %add3A_263 : i32
      %mul3A_265 = arith.constant 64 : i32
      %mul3A_266 = arith.muli %add3A_264, %mul3A_265 : i32
      %add3A_267 = arith.constant 32 : i32
      %add3A_268 = arith.addi %mul3A_266, %add3A_267 : i32
      %swap3A_269 = arith.index_cast %add3A_268 : i32 to index
      %swap3A_270 = tpu.vector_load %arg12[%swap3A_269] {strides = array<i32>} : memref<32768xi32, #tpu.memory_space<vmem>>, vector<16xi32>,
      tpu.vector_store %arg12[%swap3A_269], %select_n3A_260 {strides = array<i32>} : memref<32768xi32, #tpu.memory_space<vmem>>, vector<16xi32>,
      %get3A_271 = arith.constant 48 : index
      %get3A_272 = tpu.vector_load %arg11[%get3A_271] {strides = array<i32>} : memref<32768xi32, #tpu.memory_space<vmem>>, vector<16xi32>,
      %add3A_273 = arith.constant 48 : i32
      %add3A_274 = vector.broadcast %add3A_273 : i32 to vector<16xi32>
      %add3A_275 = arith.addi %iota3A, %add3A_274 : vector<16xi32>
      %lt3A_276 = arith.cmpi slt, %add3A_275, %sub3A_220 : vector<16xi32>
      %select_n3A_277 = arith.select %lt3A_276, %get3A_272, %broadcast_in_dim3A_222 : vector<16xi1>, vector<16xi32>
      %mul3A_278 = arith.constant 8 : i32
      %mul3A_279 = arith.muli %scan3A_65, %mul3A_278 : i32
      %add3A_280 = arith.constant 0 : i32
      %add3A_281 = arith.addi %mul3A_279, %add3A_280 : i32
      %mul3A_282 = arith.constant 64 : i32
      %mul3A_283 = arith.muli %add3A_281, %mul3A_282 : i32
      %add3A_284 = arith.constant 48 : i32
      %add3A_285 = arith.addi %mul3A_283, %add3A_284 : i32
      %swap3A_286 = arith.index_cast %add3A_285 : i32 to index
      %swap3A_287 = tpu.vector_load %arg12[%swap3A_286] {strides = array<i32>} : memref<32768xi32, #tpu.memory_space<vmem>>, vector<16xi32>,
      tpu.vector_store %arg12[%swap3A_286], %select_n3A_277 {strides = array<i32>} : memref<32768xi32, #tpu.memory_space<vmem>>, vector<16xi32>,
      %sub3A_288 = arith.constant 4095 : i32
      %sub3A_289 = vector.broadcast %sub3A_288 : i32 to vector<16xi32>
      %sub3A_290 = arith.subi %scan3A_216#1, %sub3A_289 : vector<16xi32>
      %get3A_291 = arith.constant 4096 : index
      %get3A_292 = tpu.vector_load %arg11[%get3A_291] {strides = array<i32>} : memref<32768xi32, #tpu.memory_space<vmem>>, vector<16xi32>,
      %slice3A_293 = vector.extract_strided_slice %get3A_292 {offsets = [0], sizes = [1], strides = [1]} : vector<16xi32> to vector<1xi32>
      %squeeze3A_294 = vector.extract %slice3A_293[0] : i32 from vector<1xi32>
      %broadcast_in_dim3A_295 = vector.broadcast %squeeze3A_294 : i32 to vector<16xi32>
      %add3A_296 = arith.constant 0 : i32
      %add3A_297 = vector.broadcast %add3A_296 : i32 to vector<16xi32>
      %add3A_298 = arith.addi %iota3A, %add3A_297 : vector<16xi32>
      %lt3A_299 = arith.cmpi slt, %add3A_298, %sub3A_290 : vector<16xi32>
      %select_n3A_300 = arith.select %lt3A_299, %get3A_292, %broadcast_in_dim3A_295 : vector<16xi1>, vector<16xi32>
      %mul3A_301 = arith.constant 8 : i32
      %mul3A_302 = arith.muli %scan3A_65, %mul3A_301 : i32
      %add3A_303 = arith.constant 1 : i32
      %add3A_304 = arith.addi %mul3A_302, %add3A_303 : i32
      %mul3A_305 = arith.constant 64 : i32
      %mul3A_306 = arith.muli %add3A_304, %mul3A_305 : i32
      %add3A_307 = arith.constant 0 : i32
      %add3A_308 = arith.addi %mul3A_306, %add3A_307 : i32
      %swap3A_309 = arith.index_cast %add3A_308 : i32 to index
      %swap3A_310 = tpu.vector_load %arg12[%swap3A_309] {strides = array<i32>} : memref<32768xi32, #tpu.memory_space<vmem>>, vector<16xi32>,
      tpu.vector_store %arg12[%swap3A_309], %select_n3A_300 {strides = array<i32>} : memref<32768xi32, #tpu.memory_space<vmem>>, vector<16xi32>,
      %get3A_311 = arith.constant 4112 : index
      %get3A_312 = tpu.vector_load %arg11[%get3A_311] {strides = array<i32>} : memref<32768xi32, #tpu.memory_space<vmem>>, vector<16xi32>,
      %add3A_313 = arith.constant 16 : i32
      %add3A_314 = vector.broadcast %add3A_313 : i32 to vector<16xi32>
      %add3A_315 = arith.addi %iota3A, %add3A_314 : vector<16xi32>
      %lt3A_316 = arith.cmpi slt, %add3A_315, %sub3A_290 : vector<16xi32>
      %select_n3A_317 = arith.select %lt3A_316, %get3A_312, %broadcast_in_dim3A_295 : vector<16xi1>, vector<16xi32>
      %mul3A_318 = arith.constant 8 : i32
      %mul3A_319 = arith.muli %scan3A_65, %mul3A_318 : i32
      %add3A_320 = arith.constant 1 : i32
      %add3A_321 = arith.addi %mul3A_319, %add3A_320 : i32
      %mul3A_322 = arith.constant 64 : i32
      %mul3A_323 = arith.muli %add3A_321, %mul3A_322 : i32
      %add3A_324 = arith.constant 16 : i32
      %add3A_325 = arith.addi %mul3A_323, %add3A_324 : i32
      %swap3A_326 = arith.index_cast %add3A_325 : i32 to index
      %swap3A_327 = tpu.vector_load %arg12[%swap3A_326] {strides = array<i32>} : memref<32768xi32, #tpu.memory_space<vmem>>, vector<16xi32>,
      tpu.vector_store %arg12[%swap3A_326], %select_n3A_317 {strides = array<i32>} : memref<32768xi32, #tpu.memory_space<vmem>>, vector<16xi32>,
      %get3A_328 = arith.constant 4128 : index
      %get3A_329 = tpu.vector_load %arg11[%get3A_328] {strides = array<i32>} : memref<32768xi32, #tpu.memory_space<vmem>>, vector<16xi32>,
      %add3A_330 = arith.constant 32 : i32
      %add3A_331 = vector.broadcast %add3A_330 : i32 to vector<16xi32>
      %add3A_332 = arith.addi %iota3A, %add3A_331 : vector<16xi32>
      %lt3A_333 = arith.cmpi slt, %add3A_332, %sub3A_290 : vector<16xi32>
      %select_n3A_334 = arith.select %lt3A_333, %get3A_329, %broadcast_in_dim3A_295 : vector<16xi1>, vector<16xi32>
      %mul3A_335 = arith.constant 8 : i32
      %mul3A_336 = arith.muli %scan3A_65, %mul3A_335 : i32
      %add3A_337 = arith.constant 1 : i32
      %add3A_338 = arith.addi %mul3A_336, %add3A_337 : i32
      %mul3A_339 = arith.constant 64 : i32
      %mul3A_340 = arith.muli %add3A_338, %mul3A_339 : i32
      %add3A_341 = arith.constant 32 : i32
      %add3A_342 = arith.addi %mul3A_340, %add3A_341 : i32
      %swap3A_343 = arith.index_cast %add3A_342 : i32 to index
      %swap3A_344 = tpu.vector_load %arg12[%swap3A_343] {strides = array<i32>} : memref<32768xi32, #tpu.memory_space<vmem>>, vector<16xi32>,
      tpu.vector_store %arg12[%swap3A_343], %select_n3A_334 {strides = array<i32>} : memref<32768xi32, #tpu.memory_space<vmem>>, vector<16xi32>,
      %get3A_345 = arith.constant 4144 : index
      %get3A_346 = tpu.vector_load %arg11[%get3A_345] {strides = array<i32>} : memref<32768xi32, #tpu.memory_space<vmem>>, vector<16xi32>,
      %add3A_347 = arith.constant 48 : i32
      %add3A_348 = vector.broadcast %add3A_347 : i32 to vector<16xi32>
      %add3A_349 = arith.addi %iota3A, %add3A_348 : vector<16xi32>
      %lt3A_350 = arith.cmpi slt, %add3A_349, %sub3A_290 : vector<16xi32>
      %select_n3A_351 = arith.select %lt3A_350, %get3A_346, %broadcast_in_dim3A_295 : vector<16xi1>, vector<16xi32>
      %mul3A_352 = arith.constant 8 : i32
      %mul3A_353 = arith.muli %scan3A_65, %mul3A_352 : i32
      %add3A_354 = arith.constant 1 : i32
      %add3A_355 = arith.addi %mul3A_353, %add3A_354 : i32
      %mul3A_356 = arith.constant 64 : i32
      %mul3A_357 = arith.muli %add3A_355, %mul3A_356 : i32
      %add3A_358 = arith.constant 48 : i32
      %add3A_359 = arith.addi %mul3A_357, %add3A_358 : i32
      %swap3A_360 = arith.index_cast %add3A_359 : i32 to index
      %swap3A_361 = tpu.vector_load %arg12[%swap3A_360] {strides = array<i32>} : memref<32768xi32, #tpu.memory_space<vmem>>, vector<16xi32>,
      tpu.vector_store %arg12[%swap3A_360], %select_n3A_351 {strides = array<i32>} : memref<32768xi32, #tpu.memory_space<vmem>>, vector<16xi32>,
      %sub3A_362 = arith.constant 8191 : i32
      %sub3A_363 = vector.broadcast %sub3A_362 : i32 to vector<16xi32>
      %sub3A_364 = arith.subi %scan3A_216#2, %sub3A_363 : vector<16xi32>
      %get3A_365 = arith.constant 8192 : index
      %get3A_366 = tpu.vector_load %arg11[%get3A_365] {strides = array<i32>} : memref<32768xi32, #tpu.memory_space<vmem>>, vector<16xi32>,
      %slice3A_367 = vector.extract_strided_slice %get3A_366 {offsets = [0], sizes = [1], strides = [1]} : vector<16xi32> to vector<1xi32>
      %squeeze3A_368 = vector.extract %slice3A_367[0] : i32 from vector<1xi32>
      %broadcast_in_dim3A_369 = vector.broadcast %squeeze3A_368 : i32 to vector<16xi32>
      %add3A_370 = arith.constant 0 : i32
      %add3A_371 = vector.broadcast %add3A_370 : i32 to vector<16xi32>
      %add3A_372 = arith.addi %iota3A, %add3A_371 : vector<16xi32>
      %lt3A_373 = arith.cmpi slt, %add3A_372, %sub3A_364 : vector<16xi32>
      %select_n3A_374 = arith.select %lt3A_373, %get3A_366, %broadcast_in_dim3A_369 : vector<16xi1>, vector<16xi32>
      %mul3A_375 = arith.constant 8 : i32
      %mul3A_376 = arith.muli %scan3A_65, %mul3A_375 : i32
      %add3A_377 = arith.constant 2 : i32
      %add3A_378 = arith.addi %mul3A_376, %add3A_377 : i32
      %mul3A_379 = arith.constant 64 : i32
      %mul3A_380 = arith.muli %add3A_378, %mul3A_379 : i32
      %add3A_381 = arith.constant 0 : i32
      %add3A_382 = arith.addi %mul3A_380, %add3A_381 : i32
      %swap3A_383 = arith.index_cast %add3A_382 : i32 to index
      %swap3A_384 = tpu.vector_load %arg12[%swap3A_383] {strides = array<i32>} : memref<32768xi32, #tpu.memory_space<vmem>>, vector<16xi32>,
      tpu.vector_store %arg12[%swap3A_383], %select_n3A_374 {strides = array<i32>} : memref<32768xi32, #tpu.memory_space<vmem>>, vector<16xi32>,
      %get3A_385 = arith.constant 8208 : index
      %get3A_386 = tpu.vector_load %arg11[%get3A_385] {strides = array<i32>} : memref<32768xi32, #tpu.memory_space<vmem>>, vector<16xi32>,
      %add3A_387 = arith.constant 16 : i32
      %add3A_388 = vector.broadcast %add3A_387 : i32 to vector<16xi32>
      %add3A_389 = arith.addi %iota3A, %add3A_388 : vector<16xi32>
      %lt3A_390 = arith.cmpi slt, %add3A_389, %sub3A_364 : vector<16xi32>
      %select_n3A_391 = arith.select %lt3A_390, %get3A_386, %broadcast_in_dim3A_369 : vector<16xi1>, vector<16xi32>
      %mul3A_392 = arith.constant 8 : i32
      %mul3A_393 = arith.muli %scan3A_65, %mul3A_392 : i32
      %add3A_394 = arith.constant 2 : i32
      %add3A_395 = arith.addi %mul3A_393, %add3A_394 : i32
      %mul3A_396 = arith.constant 64 : i32
      %mul3A_397 = arith.muli %add3A_395, %mul3A_396 : i32
      %add3A_398 = arith.constant 16 : i32
      %add3A_399 = arith.addi %mul3A_397, %add3A_398 : i32
      %swap3A_400 = arith.index_cast %add3A_399 : i32 to index
      %swap3A_401 = tpu.vector_load %arg12[%swap3A_400] {strides = array<i32>} : memref<32768xi32, #tpu.memory_space<vmem>>, vector<16xi32>,
      tpu.vector_store %arg12[%swap3A_400], %select_n3A_391 {strides = array<i32>} : memref<32768xi32, #tpu.memory_space<vmem>>, vector<16xi32>,
      %get3A_402 = arith.constant 8224 : index
      %get3A_403 = tpu.vector_load %arg11[%get3A_402] {strides = array<i32>} : memref<32768xi32, #tpu.memory_space<vmem>>, vector<16xi32>,
      %add3A_404 = arith.constant 32 : i32
      %add3A_405 = vector.broadcast %add3A_404 : i32 to vector<16xi32>
      %add3A_406 = arith.addi %iota3A, %add3A_405 : vector<16xi32>
      %lt3A_407 = arith.cmpi slt, %add3A_406, %sub3A_364 : vector<16xi32>
      %select_n3A_408 = arith.select %lt3A_407, %get3A_403, %broadcast_in_dim3A_369 : vector<16xi1>, vector<16xi32>
      %mul3A_409 = arith.constant 8 : i32
      %mul3A_410 = arith.muli %scan3A_65, %mul3A_409 : i32
      %add3A_411 = arith.constant 2 : i32
      %add3A_412 = arith.addi %mul3A_410, %add3A_411 : i32
      %mul3A_413 = arith.constant 64 : i32
      %mul3A_414 = arith.muli %add3A_412, %mul3A_413 : i32
      %add3A_415 = arith.constant 32 : i32
      %add3A_416 = arith.addi %mul3A_414, %add3A_415 : i32
      %swap3A_417 = arith.index_cast %add3A_416 : i32 to index
      %swap3A_418 = tpu.vector_load %arg12[%swap3A_417] {strides = array<i32>} : memref<32768xi32, #tpu.memory_space<vmem>>, vector<16xi32>,
      tpu.vector_store %arg12[%swap3A_417], %select_n3A_408 {strides = array<i32>} : memref<32768xi32, #tpu.memory_space<vmem>>, vector<16xi32>,
      %get3A_419 = arith.constant 8240 : index
      %get3A_420 = tpu.vector_load %arg11[%get3A_419] {strides = array<i32>} : memref<32768xi32, #tpu.memory_space<vmem>>, vector<16xi32>,
      %add3A_421 = arith.constant 48 : i32
      %add3A_422 = vector.broadcast %add3A_421 : i32 to vector<16xi32>
      %add3A_423 = arith.addi %iota3A, %add3A_422 : vector<16xi32>
      %lt3A_424 = arith.cmpi slt, %add3A_423, %sub3A_364 : vector<16xi32>
      %select_n3A_425 = arith.select %lt3A_424, %get3A_420, %broadcast_in_dim3A_369 : vector<16xi1>, vector<16xi32>
      %mul3A_426 = arith.constant 8 : i32
      %mul3A_427 = arith.muli %scan3A_65, %mul3A_426 : i32
      %add3A_428 = arith.constant 2 : i32
      %add3A_429 = arith.addi %mul3A_427, %add3A_428 : i32
      %mul3A_430 = arith.constant 64 : i32
      %mul3A_431 = arith.muli %add3A_429, %mul3A_430 : i32
      %add3A_432 = arith.constant 48 : i32
      %add3A_433 = arith.addi %mul3A_431, %add3A_432 : i32
      %swap3A_434 = arith.index_cast %add3A_433 : i32 to index
      %swap3A_435 = tpu.vector_load %arg12[%swap3A_434] {strides = array<i32>} : memref<32768xi32, #tpu.memory_space<vmem>>, vector<16xi32>,
      tpu.vector_store %arg12[%swap3A_434], %select_n3A_425 {strides = array<i32>} : memref<32768xi32, #tpu.memory_space<vmem>>, vector<16xi32>,
      %sub3A_436 = arith.constant 12287 : i32
      %sub3A_437 = vector.broadcast %sub3A_436 : i32 to vector<16xi32>
      %sub3A_438 = arith.subi %scan3A_216#3, %sub3A_437 : vector<16xi32>
      %get3A_439 = arith.constant 12288 : index
      %get3A_440 = tpu.vector_load %arg11[%get3A_439] {strides = array<i32>} : memref<32768xi32, #tpu.memory_space<vmem>>, vector<16xi32>,
      %slice3A_441 = vector.extract_strided_slice %get3A_440 {offsets = [0], sizes = [1], strides = [1]} : vector<16xi32> to vector<1xi32>
      %squeeze3A_442 = vector.extract %slice3A_441[0] : i32 from vector<1xi32>
      %broadcast_in_dim3A_443 = vector.broadcast %squeeze3A_442 : i32 to vector<16xi32>
      %add3A_444 = arith.constant 0 : i32
      %add3A_445 = vector.broadcast %add3A_444 : i32 to vector<16xi32>
      %add3A_446 = arith.addi %iota3A, %add3A_445 : vector<16xi32>
      %lt3A_447 = arith.cmpi slt, %add3A_446, %sub3A_438 : vector<16xi32>
      %select_n3A_448 = arith.select %lt3A_447, %get3A_440, %broadcast_in_dim3A_443 : vector<16xi1>, vector<16xi32>
      %mul3A_449 = arith.constant 8 : i32
      %mul3A_450 = arith.muli %scan3A_65, %mul3A_449 : i32
      %add3A_451 = arith.constant 3 : i32
      %add3A_452 = arith.addi %mul3A_450, %add3A_451 : i32
      %mul3A_453 = arith.constant 64 : i32
      %mul3A_454 = arith.muli %add3A_452, %mul3A_453 : i32
      %add3A_455 = arith.constant 0 : i32
      %add3A_456 = arith.addi %mul3A_454, %add3A_455 : i32
      %swap3A_457 = arith.index_cast %add3A_456 : i32 to index
      %swap3A_458 = tpu.vector_load %arg12[%swap3A_457] {strides = array<i32>} : memref<32768xi32, #tpu.memory_space<vmem>>, vector<16xi32>,
      tpu.vector_store %arg12[%swap3A_457], %select_n3A_448 {strides = array<i32>} : memref<32768xi32, #tpu.memory_space<vmem>>, vector<16xi32>,
      %get3A_459 = arith.constant 12304 : index
      %get3A_460 = tpu.vector_load %arg11[%get3A_459] {strides = array<i32>} : memref<32768xi32, #tpu.memory_space<vmem>>, vector<16xi32>,
      %add3A_461 = arith.constant 16 : i32
      %add3A_462 = vector.broadcast %add3A_461 : i32 to vector<16xi32>
      %add3A_463 = arith.addi %iota3A, %add3A_462 : vector<16xi32>
      %lt3A_464 = arith.cmpi slt, %add3A_463, %sub3A_438 : vector<16xi32>
      %select_n3A_465 = arith.select %lt3A_464, %get3A_460, %broadcast_in_dim3A_443 : vector<16xi1>, vector<16xi32>
      %mul3A_466 = arith.constant 8 : i32
      %mul3A_467 = arith.muli %scan3A_65, %mul3A_466 : i32
      %add3A_468 = arith.constant 3 : i32
      %add3A_469 = arith.addi %mul3A_467, %add3A_468 : i32
      %mul3A_470 = arith.constant 64 : i32
      %mul3A_471 = arith.muli %add3A_469, %mul3A_470 : i32
      %add3A_472 = arith.constant 16 : i32
      %add3A_473 = arith.addi %mul3A_471, %add3A_472 : i32
      %swap3A_474 = arith.index_cast %add3A_473 : i32 to index
      %swap3A_475 = tpu.vector_load %arg12[%swap3A_474] {strides = array<i32>} : memref<32768xi32, #tpu.memory_space<vmem>>, vector<16xi32>,
      tpu.vector_store %arg12[%swap3A_474], %select_n3A_465 {strides = array<i32>} : memref<32768xi32, #tpu.memory_space<vmem>>, vector<16xi32>,
      %get3A_476 = arith.constant 12320 : index
      %get3A_477 = tpu.vector_load %arg11[%get3A_476] {strides = array<i32>} : memref<32768xi32, #tpu.memory_space<vmem>>, vector<16xi32>,
      %add3A_478 = arith.constant 32 : i32
      %add3A_479 = vector.broadcast %add3A_478 : i32 to vector<16xi32>
      %add3A_480 = arith.addi %iota3A, %add3A_479 : vector<16xi32>
      %lt3A_481 = arith.cmpi slt, %add3A_480, %sub3A_438 : vector<16xi32>
      %select_n3A_482 = arith.select %lt3A_481, %get3A_477, %broadcast_in_dim3A_443 : vector<16xi1>, vector<16xi32>
      %mul3A_483 = arith.constant 8 : i32
      %mul3A_484 = arith.muli %scan3A_65, %mul3A_483 : i32
      %add3A_485 = arith.constant 3 : i32
      %add3A_486 = arith.addi %mul3A_484, %add3A_485 : i32
      %mul3A_487 = arith.constant 64 : i32
      %mul3A_488 = arith.muli %add3A_486, %mul3A_487 : i32
      %add3A_489 = arith.constant 32 : i32
      %add3A_490 = arith.addi %mul3A_488, %add3A_489 : i32
      %swap3A_491 = arith.index_cast %add3A_490 : i32 to index
      %swap3A_492 = tpu.vector_load %arg12[%swap3A_491] {strides = array<i32>} : memref<32768xi32, #tpu.memory_space<vmem>>, vector<16xi32>,
      tpu.vector_store %arg12[%swap3A_491], %select_n3A_482 {strides = array<i32>} : memref<32768xi32, #tpu.memory_space<vmem>>, vector<16xi32>,
      %get3A_493 = arith.constant 12336 : index
      %get3A_494 = tpu.vector_load %arg11[%get3A_493] {strides = array<i32>} : memref<32768xi32, #tpu.memory_space<vmem>>, vector<16xi32>,
      %add3A_495 = arith.constant 48 : i32
      %add3A_496 = vector.broadcast %add3A_495 : i32 to vector<16xi32>
      %add3A_497 = arith.addi %iota3A, %add3A_496 : vector<16xi32>
      %lt3A_498 = arith.cmpi slt, %add3A_497, %sub3A_438 : vector<16xi32>
      %select_n3A_499 = arith.select %lt3A_498, %get3A_494, %broadcast_in_dim3A_443 : vector<16xi1>, vector<16xi32>
      %mul3A_500 = arith.constant 8 : i32
      %mul3A_501 = arith.muli %scan3A_65, %mul3A_500 : i32
      %add3A_502 = arith.constant 3 : i32
      %add3A_503 = arith.addi %mul3A_501, %add3A_502 : i32
      %mul3A_504 = arith.constant 64 : i32
      %mul3A_505 = arith.muli %add3A_503, %mul3A_504 : i32
      %add3A_506 = arith.constant 48 : i32
      %add3A_507 = arith.addi %mul3A_505, %add3A_506 : i32
      %swap3A_508 = arith.index_cast %add3A_507 : i32 to index
      %swap3A_509 = tpu.vector_load %arg12[%swap3A_508] {strides = array<i32>} : memref<32768xi32, #tpu.memory_space<vmem>>, vector<16xi32>,
      tpu.vector_store %arg12[%swap3A_508], %select_n3A_499 {strides = array<i32>} : memref<32768xi32, #tpu.memory_space<vmem>>, vector<16xi32>,
      %sub3A_510 = arith.constant 16383 : i32
      %sub3A_511 = vector.broadcast %sub3A_510 : i32 to vector<16xi32>
      %sub3A_512 = arith.subi %scan3A_216#4, %sub3A_511 : vector<16xi32>
      %get3A_513 = arith.constant 16384 : index
      %get3A_514 = tpu.vector_load %arg11[%get3A_513] {strides = array<i32>} : memref<32768xi32, #tpu.memory_space<vmem>>, vector<16xi32>,
      %slice3A_515 = vector.extract_strided_slice %get3A_514 {offsets = [0], sizes = [1], strides = [1]} : vector<16xi32> to vector<1xi32>
      %squeeze3A_516 = vector.extract %slice3A_515[0] : i32 from vector<1xi32>
      %broadcast_in_dim3A_517 = vector.broadcast %squeeze3A_516 : i32 to vector<16xi32>
      %add3A_518 = arith.constant 0 : i32
      %add3A_519 = vector.broadcast %add3A_518 : i32 to vector<16xi32>
      %add3A_520 = arith.addi %iota3A, %add3A_519 : vector<16xi32>
      %lt3A_521 = arith.cmpi slt, %add3A_520, %sub3A_512 : vector<16xi32>
      %select_n3A_522 = arith.select %lt3A_521, %get3A_514, %broadcast_in_dim3A_517 : vector<16xi1>, vector<16xi32>
      %mul3A_523 = arith.constant 8 : i32
      %mul3A_524 = arith.muli %scan3A_65, %mul3A_523 : i32
      %add3A_525 = arith.constant 4 : i32
      %add3A_526 = arith.addi %mul3A_524, %add3A_525 : i32
      %mul3A_527 = arith.constant 64 : i32
      %mul3A_528 = arith.muli %add3A_526, %mul3A_527 : i32
      %add3A_529 = arith.constant 0 : i32
      %add3A_530 = arith.addi %mul3A_528, %add3A_529 : i32
      %swap3A_531 = arith.index_cast %add3A_530 : i32 to index
      %swap3A_532 = tpu.vector_load %arg12[%swap3A_531] {strides = array<i32>} : memref<32768xi32, #tpu.memory_space<vmem>>, vector<16xi32>,
      tpu.vector_store %arg12[%swap3A_531], %select_n3A_522 {strides = array<i32>} : memref<32768xi32, #tpu.memory_space<vmem>>, vector<16xi32>,
      %get3A_533 = arith.constant 16400 : index
      %get3A_534 = tpu.vector_load %arg11[%get3A_533] {strides = array<i32>} : memref<32768xi32, #tpu.memory_space<vmem>>, vector<16xi32>,
      %add3A_535 = arith.constant 16 : i32
      %add3A_536 = vector.broadcast %add3A_535 : i32 to vector<16xi32>
      %add3A_537 = arith.addi %iota3A, %add3A_536 : vector<16xi32>
      %lt3A_538 = arith.cmpi slt, %add3A_537, %sub3A_512 : vector<16xi32>
      %select_n3A_539 = arith.select %lt3A_538, %get3A_534, %broadcast_in_dim3A_517 : vector<16xi1>, vector<16xi32>
      %mul3A_540 = arith.constant 8 : i32
      %mul3A_541 = arith.muli %scan3A_65, %mul3A_540 : i32
      %add3A_542 = arith.constant 4 : i32
      %add3A_543 = arith.addi %mul3A_541, %add3A_542 : i32
      %mul3A_544 = arith.constant 64 : i32
      %mul3A_545 = arith.muli %add3A_543, %mul3A_544 : i32
      %add3A_546 = arith.constant 16 : i32
      %add3A_547 = arith.addi %mul3A_545, %add3A_546 : i32
      %swap3A_548 = arith.index_cast %add3A_547 : i32 to index
      %swap3A_549 = tpu.vector_load %arg12[%swap3A_548] {strides = array<i32>} : memref<32768xi32, #tpu.memory_space<vmem>>, vector<16xi32>,
      tpu.vector_store %arg12[%swap3A_548], %select_n3A_539 {strides = array<i32>} : memref<32768xi32, #tpu.memory_space<vmem>>, vector<16xi32>,
      %get3A_550 = arith.constant 16416 : index
      %get3A_551 = tpu.vector_load %arg11[%get3A_550] {strides = array<i32>} : memref<32768xi32, #tpu.memory_space<vmem>>, vector<16xi32>,
      %add3A_552 = arith.constant 32 : i32
      %add3A_553 = vector.broadcast %add3A_552 : i32 to vector<16xi32>
      %add3A_554 = arith.addi %iota3A, %add3A_553 : vector<16xi32>
      %lt3A_555 = arith.cmpi slt, %add3A_554, %sub3A_512 : vector<16xi32>
      %select_n3A_556 = arith.select %lt3A_555, %get3A_551, %broadcast_in_dim3A_517 : vector<16xi1>, vector<16xi32>
      %mul3A_557 = arith.constant 8 : i32
      %mul3A_558 = arith.muli %scan3A_65, %mul3A_557 : i32
      %add3A_559 = arith.constant 4 : i32
      %add3A_560 = arith.addi %mul3A_558, %add3A_559 : i32
      %mul3A_561 = arith.constant 64 : i32
      %mul3A_562 = arith.muli %add3A_560, %mul3A_561 : i32
      %add3A_563 = arith.constant 32 : i32
      %add3A_564 = arith.addi %mul3A_562, %add3A_563 : i32
      %swap3A_565 = arith.index_cast %add3A_564 : i32 to index
      %swap3A_566 = tpu.vector_load %arg12[%swap3A_565] {strides = array<i32>} : memref<32768xi32, #tpu.memory_space<vmem>>, vector<16xi32>,
      tpu.vector_store %arg12[%swap3A_565], %select_n3A_556 {strides = array<i32>} : memref<32768xi32, #tpu.memory_space<vmem>>, vector<16xi32>,
      %get3A_567 = arith.constant 16432 : index
      %get3A_568 = tpu.vector_load %arg11[%get3A_567] {strides = array<i32>} : memref<32768xi32, #tpu.memory_space<vmem>>, vector<16xi32>,
      %add3A_569 = arith.constant 48 : i32
      %add3A_570 = vector.broadcast %add3A_569 : i32 to vector<16xi32>
      %add3A_571 = arith.addi %iota3A, %add3A_570 : vector<16xi32>
      %lt3A_572 = arith.cmpi slt, %add3A_571, %sub3A_512 : vector<16xi32>
      %select_n3A_573 = arith.select %lt3A_572, %get3A_568, %broadcast_in_dim3A_517 : vector<16xi1>, vector<16xi32>
      %mul3A_574 = arith.constant 8 : i32
      %mul3A_575 = arith.muli %scan3A_65, %mul3A_574 : i32
      %add3A_576 = arith.constant 4 : i32
      %add3A_577 = arith.addi %mul3A_575, %add3A_576 : i32
      %mul3A_578 = arith.constant 64 : i32
      %mul3A_579 = arith.muli %add3A_577, %mul3A_578 : i32
      %add3A_580 = arith.constant 48 : i32
      %add3A_581 = arith.addi %mul3A_579, %add3A_580 : i32
      %swap3A_582 = arith.index_cast %add3A_581 : i32 to index
      %swap3A_583 = tpu.vector_load %arg12[%swap3A_582] {strides = array<i32>} : memref<32768xi32, #tpu.memory_space<vmem>>, vector<16xi32>,
      tpu.vector_store %arg12[%swap3A_582], %select_n3A_573 {strides = array<i32>} : memref<32768xi32, #tpu.memory_space<vmem>>, vector<16xi32>,
      %sub3A_584 = arith.constant 20479 : i32
      %sub3A_585 = vector.broadcast %sub3A_584 : i32 to vector<16xi32>
      %sub3A_586 = arith.subi %scan3A_216#5, %sub3A_585 : vector<16xi32>
      %get3A_587 = arith.constant 20480 : index
      %get3A_588 = tpu.vector_load %arg11[%get3A_587] {strides = array<i32>} : memref<32768xi32, #tpu.memory_space<vmem>>, vector<16xi32>,
      %slice3A_589 = vector.extract_strided_slice %get3A_588 {offsets = [0], sizes = [1], strides = [1]} : vector<16xi32> to vector<1xi32>
      %squeeze3A_590 = vector.extract %slice3A_589[0] : i32 from vector<1xi32>
      %broadcast_in_dim3A_591 = vector.broadcast %squeeze3A_590 : i32 to vector<16xi32>
      %add3A_592 = arith.constant 0 : i32
      %add3A_593 = vector.broadcast %add3A_592 : i32 to vector<16xi32>
      %add3A_594 = arith.addi %iota3A, %add3A_593 : vector<16xi32>
      %lt3A_595 = arith.cmpi slt, %add3A_594, %sub3A_586 : vector<16xi32>
      %select_n3A_596 = arith.select %lt3A_595, %get3A_588, %broadcast_in_dim3A_591 : vector<16xi1>, vector<16xi32>
      %mul3A_597 = arith.constant 8 : i32
      %mul3A_598 = arith.muli %scan3A_65, %mul3A_597 : i32
      %add3A_599 = arith.constant 5 : i32
      %add3A_600 = arith.addi %mul3A_598, %add3A_599 : i32
      %mul3A_601 = arith.constant 64 : i32
      %mul3A_602 = arith.muli %add3A_600, %mul3A_601 : i32
      %add3A_603 = arith.constant 0 : i32
      %add3A_604 = arith.addi %mul3A_602, %add3A_603 : i32
      %swap3A_605 = arith.index_cast %add3A_604 : i32 to index
      %swap3A_606 = tpu.vector_load %arg12[%swap3A_605] {strides = array<i32>} : memref<32768xi32, #tpu.memory_space<vmem>>, vector<16xi32>,
      tpu.vector_store %arg12[%swap3A_605], %select_n3A_596 {strides = array<i32>} : memref<32768xi32, #tpu.memory_space<vmem>>, vector<16xi32>,
      %get3A_607 = arith.constant 20496 : index
      %get3A_608 = tpu.vector_load %arg11[%get3A_607] {strides = array<i32>} : memref<32768xi32, #tpu.memory_space<vmem>>, vector<16xi32>,
      %add3A_609 = arith.constant 16 : i32
      %add3A_610 = vector.broadcast %add3A_609 : i32 to vector<16xi32>
      %add3A_611 = arith.addi %iota3A, %add3A_610 : vector<16xi32>
      %lt3A_612 = arith.cmpi slt, %add3A_611, %sub3A_586 : vector<16xi32>
      %select_n3A_613 = arith.select %lt3A_612, %get3A_608, %broadcast_in_dim3A_591 : vector<16xi1>, vector<16xi32>
      %mul3A_614 = arith.constant 8 : i32
      %mul3A_615 = arith.muli %scan3A_65, %mul3A_614 : i32
      %add3A_616 = arith.constant 5 : i32
      %add3A_617 = arith.addi %mul3A_615, %add3A_616 : i32
      %mul3A_618 = arith.constant 64 : i32
      %mul3A_619 = arith.muli %add3A_617, %mul3A_618 : i32
      %add3A_620 = arith.constant 16 : i32
      %add3A_621 = arith.addi %mul3A_619, %add3A_620 : i32
      %swap3A_622 = arith.index_cast %add3A_621 : i32 to index
      %swap3A_623 = tpu.vector_load %arg12[%swap3A_622] {strides = array<i32>} : memref<32768xi32, #tpu.memory_space<vmem>>, vector<16xi32>,
      tpu.vector_store %arg12[%swap3A_622], %select_n3A_613 {strides = array<i32>} : memref<32768xi32, #tpu.memory_space<vmem>>, vector<16xi32>,
      %get3A_624 = arith.constant 20512 : index
      %get3A_625 = tpu.vector_load %arg11[%get3A_624] {strides = array<i32>} : memref<32768xi32, #tpu.memory_space<vmem>>, vector<16xi32>,
      %add3A_626 = arith.constant 32 : i32
      %add3A_627 = vector.broadcast %add3A_626 : i32 to vector<16xi32>
      %add3A_628 = arith.addi %iota3A, %add3A_627 : vector<16xi32>
      %lt3A_629 = arith.cmpi slt, %add3A_628, %sub3A_586 : vector<16xi32>
      %select_n3A_630 = arith.select %lt3A_629, %get3A_625, %broadcast_in_dim3A_591 : vector<16xi1>, vector<16xi32>
      %mul3A_631 = arith.constant 8 : i32
      %mul3A_632 = arith.muli %scan3A_65, %mul3A_631 : i32
      %add3A_633 = arith.constant 5 : i32
      %add3A_634 = arith.addi %mul3A_632, %add3A_633 : i32
      %mul3A_635 = arith.constant 64 : i32
      %mul3A_636 = arith.muli %add3A_634, %mul3A_635 : i32
      %add3A_637 = arith.constant 32 : i32
      %add3A_638 = arith.addi %mul3A_636, %add3A_637 : i32
      %swap3A_639 = arith.index_cast %add3A_638 : i32 to index
      %swap3A_640 = tpu.vector_load %arg12[%swap3A_639] {strides = array<i32>} : memref<32768xi32, #tpu.memory_space<vmem>>, vector<16xi32>,
      tpu.vector_store %arg12[%swap3A_639], %select_n3A_630 {strides = array<i32>} : memref<32768xi32, #tpu.memory_space<vmem>>, vector<16xi32>,
      %get3A_641 = arith.constant 20528 : index
      %get3A_642 = tpu.vector_load %arg11[%get3A_641] {strides = array<i32>} : memref<32768xi32, #tpu.memory_space<vmem>>, vector<16xi32>,
      %add3A_643 = arith.constant 48 : i32
      %add3A_644 = vector.broadcast %add3A_643 : i32 to vector<16xi32>
      %add3A_645 = arith.addi %iota3A, %add3A_644 : vector<16xi32>
      %lt3A_646 = arith.cmpi slt, %add3A_645, %sub3A_586 : vector<16xi32>
      %select_n3A_647 = arith.select %lt3A_646, %get3A_642, %broadcast_in_dim3A_591 : vector<16xi1>, vector<16xi32>
      %mul3A_648 = arith.constant 8 : i32
      %mul3A_649 = arith.muli %scan3A_65, %mul3A_648 : i32
      %add3A_650 = arith.constant 5 : i32
      %add3A_651 = arith.addi %mul3A_649, %add3A_650 : i32
      %mul3A_652 = arith.constant 64 : i32
      %mul3A_653 = arith.muli %add3A_651, %mul3A_652 : i32
      %add3A_654 = arith.constant 48 : i32
      %add3A_655 = arith.addi %mul3A_653, %add3A_654 : i32
      %swap3A_656 = arith.index_cast %add3A_655 : i32 to index
      %swap3A_657 = tpu.vector_load %arg12[%swap3A_656] {strides = array<i32>} : memref<32768xi32, #tpu.memory_space<vmem>>, vector<16xi32>,
      tpu.vector_store %arg12[%swap3A_656], %select_n3A_647 {strides = array<i32>} : memref<32768xi32, #tpu.memory_space<vmem>>, vector<16xi32>,
      %sub3A_658 = arith.constant 24575 : i32
      %sub3A_659 = vector.broadcast %sub3A_658 : i32 to vector<16xi32>
      %sub3A_660 = arith.subi %scan3A_216#6, %sub3A_659 : vector<16xi32>
      %get3A_661 = arith.constant 24576 : index
      %get3A_662 = tpu.vector_load %arg11[%get3A_661] {strides = array<i32>} : memref<32768xi32, #tpu.memory_space<vmem>>, vector<16xi32>,
      %slice3A_663 = vector.extract_strided_slice %get3A_662 {offsets = [0], sizes = [1], strides = [1]} : vector<16xi32> to vector<1xi32>
      %squeeze3A_664 = vector.extract %slice3A_663[0] : i32 from vector<1xi32>
      %broadcast_in_dim3A_665 = vector.broadcast %squeeze3A_664 : i32 to vector<16xi32>
      %add3A_666 = arith.constant 0 : i32
      %add3A_667 = vector.broadcast %add3A_666 : i32 to vector<16xi32>
      %add3A_668 = arith.addi %iota3A, %add3A_667 : vector<16xi32>
      %lt3A_669 = arith.cmpi slt, %add3A_668, %sub3A_660 : vector<16xi32>
      %select_n3A_670 = arith.select %lt3A_669, %get3A_662, %broadcast_in_dim3A_665 : vector<16xi1>, vector<16xi32>
      %mul3A_671 = arith.constant 8 : i32
      %mul3A_672 = arith.muli %scan3A_65, %mul3A_671 : i32
      %add3A_673 = arith.constant 6 : i32
      %add3A_674 = arith.addi %mul3A_672, %add3A_673 : i32
      %mul3A_675 = arith.constant 64 : i32
      %mul3A_676 = arith.muli %add3A_674, %mul3A_675 : i32
      %add3A_677 = arith.constant 0 : i32
      %add3A_678 = arith.addi %mul3A_676, %add3A_677 : i32
      %swap3A_679 = arith.index_cast %add3A_678 : i32 to index
      %swap3A_680 = tpu.vector_load %arg12[%swap3A_679] {strides = array<i32>} : memref<32768xi32, #tpu.memory_space<vmem>>, vector<16xi32>,
      tpu.vector_store %arg12[%swap3A_679], %select_n3A_670 {strides = array<i32>} : memref<32768xi32, #tpu.memory_space<vmem>>, vector<16xi32>,
      %get3A_681 = arith.constant 24592 : index
      %get3A_682 = tpu.vector_load %arg11[%get3A_681] {strides = array<i32>} : memref<32768xi32, #tpu.memory_space<vmem>>, vector<16xi32>,
      %add3A_683 = arith.constant 16 : i32
      %add3A_684 = vector.broadcast %add3A_683 : i32 to vector<16xi32>
      %add3A_685 = arith.addi %iota3A, %add3A_684 : vector<16xi32>
      %lt3A_686 = arith.cmpi slt, %add3A_685, %sub3A_660 : vector<16xi32>
      %select_n3A_687 = arith.select %lt3A_686, %get3A_682, %broadcast_in_dim3A_665 : vector<16xi1>, vector<16xi32>
      %mul3A_688 = arith.constant 8 : i32
      %mul3A_689 = arith.muli %scan3A_65, %mul3A_688 : i32
      %add3A_690 = arith.constant 6 : i32
      %add3A_691 = arith.addi %mul3A_689, %add3A_690 : i32
      %mul3A_692 = arith.constant 64 : i32
      %mul3A_693 = arith.muli %add3A_691, %mul3A_692 : i32
      %add3A_694 = arith.constant 16 : i32
      %add3A_695 = arith.addi %mul3A_693, %add3A_694 : i32
      %swap3A_696 = arith.index_cast %add3A_695 : i32 to index
      %swap3A_697 = tpu.vector_load %arg12[%swap3A_696] {strides = array<i32>} : memref<32768xi32, #tpu.memory_space<vmem>>, vector<16xi32>,
      tpu.vector_store %arg12[%swap3A_696], %select_n3A_687 {strides = array<i32>} : memref<32768xi32, #tpu.memory_space<vmem>>, vector<16xi32>,
      %get3A_698 = arith.constant 24608 : index
      %get3A_699 = tpu.vector_load %arg11[%get3A_698] {strides = array<i32>} : memref<32768xi32, #tpu.memory_space<vmem>>, vector<16xi32>,
      %add3A_700 = arith.constant 32 : i32
      %add3A_701 = vector.broadcast %add3A_700 : i32 to vector<16xi32>
      %add3A_702 = arith.addi %iota3A, %add3A_701 : vector<16xi32>
      %lt3A_703 = arith.cmpi slt, %add3A_702, %sub3A_660 : vector<16xi32>
      %select_n3A_704 = arith.select %lt3A_703, %get3A_699, %broadcast_in_dim3A_665 : vector<16xi1>, vector<16xi32>
      %mul3A_705 = arith.constant 8 : i32
      %mul3A_706 = arith.muli %scan3A_65, %mul3A_705 : i32
      %add3A_707 = arith.constant 6 : i32
      %add3A_708 = arith.addi %mul3A_706, %add3A_707 : i32
      %mul3A_709 = arith.constant 64 : i32
      %mul3A_710 = arith.muli %add3A_708, %mul3A_709 : i32
      %add3A_711 = arith.constant 32 : i32
      %add3A_712 = arith.addi %mul3A_710, %add3A_711 : i32
      %swap3A_713 = arith.index_cast %add3A_712 : i32 to index
      %swap3A_714 = tpu.vector_load %arg12[%swap3A_713] {strides = array<i32>} : memref<32768xi32, #tpu.memory_space<vmem>>, vector<16xi32>,
      tpu.vector_store %arg12[%swap3A_713], %select_n3A_704 {strides = array<i32>} : memref<32768xi32, #tpu.memory_space<vmem>>, vector<16xi32>,
      %get3A_715 = arith.constant 24624 : index
      %get3A_716 = tpu.vector_load %arg11[%get3A_715] {strides = array<i32>} : memref<32768xi32, #tpu.memory_space<vmem>>, vector<16xi32>,
      %add3A_717 = arith.constant 48 : i32
      %add3A_718 = vector.broadcast %add3A_717 : i32 to vector<16xi32>
      %add3A_719 = arith.addi %iota3A, %add3A_718 : vector<16xi32>
      %lt3A_720 = arith.cmpi slt, %add3A_719, %sub3A_660 : vector<16xi32>
      %select_n3A_721 = arith.select %lt3A_720, %get3A_716, %broadcast_in_dim3A_665 : vector<16xi1>, vector<16xi32>
      %mul3A_722 = arith.constant 8 : i32
      %mul3A_723 = arith.muli %scan3A_65, %mul3A_722 : i32
      %add3A_724 = arith.constant 6 : i32
      %add3A_725 = arith.addi %mul3A_723, %add3A_724 : i32
      %mul3A_726 = arith.constant 64 : i32
      %mul3A_727 = arith.muli %add3A_725, %mul3A_726 : i32
      %add3A_728 = arith.constant 48 : i32
      %add3A_729 = arith.addi %mul3A_727, %add3A_728 : i32
      %swap3A_730 = arith.index_cast %add3A_729 : i32 to index
      %swap3A_731 = tpu.vector_load %arg12[%swap3A_730] {strides = array<i32>} : memref<32768xi32, #tpu.memory_space<vmem>>, vector<16xi32>,
      tpu.vector_store %arg12[%swap3A_730], %select_n3A_721 {strides = array<i32>} : memref<32768xi32, #tpu.memory_space<vmem>>, vector<16xi32>,
      %sub3A_732 = arith.constant 28671 : i32
      %sub3A_733 = vector.broadcast %sub3A_732 : i32 to vector<16xi32>
      %sub3A_734 = arith.subi %scan3A_216#7, %sub3A_733 : vector<16xi32>
      %get3A_735 = arith.constant 28672 : index
      %get3A_736 = tpu.vector_load %arg11[%get3A_735] {strides = array<i32>} : memref<32768xi32, #tpu.memory_space<vmem>>, vector<16xi32>,
      %slice3A_737 = vector.extract_strided_slice %get3A_736 {offsets = [0], sizes = [1], strides = [1]} : vector<16xi32> to vector<1xi32>
      %squeeze3A_738 = vector.extract %slice3A_737[0] : i32 from vector<1xi32>
      %broadcast_in_dim3A_739 = vector.broadcast %squeeze3A_738 : i32 to vector<16xi32>
      %add3A_740 = arith.constant 0 : i32
      %add3A_741 = vector.broadcast %add3A_740 : i32 to vector<16xi32>
      %add3A_742 = arith.addi %iota3A, %add3A_741 : vector<16xi32>
      %lt3A_743 = arith.cmpi slt, %add3A_742, %sub3A_734 : vector<16xi32>
      %select_n3A_744 = arith.select %lt3A_743, %get3A_736, %broadcast_in_dim3A_739 : vector<16xi1>, vector<16xi32>
      %mul3A_745 = arith.constant 8 : i32
      %mul3A_746 = arith.muli %scan3A_65, %mul3A_745 : i32
      %add3A_747 = arith.constant 7 : i32
      %add3A_748 = arith.addi %mul3A_746, %add3A_747 : i32
      %mul3A_749 = arith.constant 64 : i32
      %mul3A_750 = arith.muli %add3A_748, %mul3A_749 : i32
      %add3A_751 = arith.constant 0 : i32
      %add3A_752 = arith.addi %mul3A_750, %add3A_751 : i32
      %swap3A_753 = arith.index_cast %add3A_752 : i32 to index
      %swap3A_754 = tpu.vector_load %arg12[%swap3A_753] {strides = array<i32>} : memref<32768xi32, #tpu.memory_space<vmem>>, vector<16xi32>,
      tpu.vector_store %arg12[%swap3A_753], %select_n3A_744 {strides = array<i32>} : memref<32768xi32, #tpu.memory_space<vmem>>, vector<16xi32>,
      %get3A_755 = arith.constant 28688 : index
      %get3A_756 = tpu.vector_load %arg11[%get3A_755] {strides = array<i32>} : memref<32768xi32, #tpu.memory_space<vmem>>, vector<16xi32>,
      %add3A_757 = arith.constant 16 : i32
      %add3A_758 = vector.broadcast %add3A_757 : i32 to vector<16xi32>
      %add3A_759 = arith.addi %iota3A, %add3A_758 : vector<16xi32>
      %lt3A_760 = arith.cmpi slt, %add3A_759, %sub3A_734 : vector<16xi32>
      %select_n3A_761 = arith.select %lt3A_760, %get3A_756, %broadcast_in_dim3A_739 : vector<16xi1>, vector<16xi32>
      %mul3A_762 = arith.constant 8 : i32
      %mul3A_763 = arith.muli %scan3A_65, %mul3A_762 : i32
      %add3A_764 = arith.constant 7 : i32
      %add3A_765 = arith.addi %mul3A_763, %add3A_764 : i32
      %mul3A_766 = arith.constant 64 : i32
      %mul3A_767 = arith.muli %add3A_765, %mul3A_766 : i32
      %add3A_768 = arith.constant 16 : i32
      %add3A_769 = arith.addi %mul3A_767, %add3A_768 : i32
      %swap3A_770 = arith.index_cast %add3A_769 : i32 to index
      %swap3A_771 = tpu.vector_load %arg12[%swap3A_770] {strides = array<i32>} : memref<32768xi32, #tpu.memory_space<vmem>>, vector<16xi32>,
      tpu.vector_store %arg12[%swap3A_770], %select_n3A_761 {strides = array<i32>} : memref<32768xi32, #tpu.memory_space<vmem>>, vector<16xi32>,
      %get3A_772 = arith.constant 28704 : index
      %get3A_773 = tpu.vector_load %arg11[%get3A_772] {strides = array<i32>} : memref<32768xi32, #tpu.memory_space<vmem>>, vector<16xi32>,
      %add3A_774 = arith.constant 32 : i32
      %add3A_775 = vector.broadcast %add3A_774 : i32 to vector<16xi32>
      %add3A_776 = arith.addi %iota3A, %add3A_775 : vector<16xi32>
      %lt3A_777 = arith.cmpi slt, %add3A_776, %sub3A_734 : vector<16xi32>
      %select_n3A_778 = arith.select %lt3A_777, %get3A_773, %broadcast_in_dim3A_739 : vector<16xi1>, vector<16xi32>
      %mul3A_779 = arith.constant 8 : i32
      %mul3A_780 = arith.muli %scan3A_65, %mul3A_779 : i32
      %add3A_781 = arith.constant 7 : i32
      %add3A_782 = arith.addi %mul3A_780, %add3A_781 : i32
      %mul3A_783 = arith.constant 64 : i32
      %mul3A_784 = arith.muli %add3A_782, %mul3A_783 : i32
      %add3A_785 = arith.constant 32 : i32
      %add3A_786 = arith.addi %mul3A_784, %add3A_785 : i32
      %swap3A_787 = arith.index_cast %add3A_786 : i32 to index
      %swap3A_788 = tpu.vector_load %arg12[%swap3A_787] {strides = array<i32>} : memref<32768xi32, #tpu.memory_space<vmem>>, vector<16xi32>,
      tpu.vector_store %arg12[%swap3A_787], %select_n3A_778 {strides = array<i32>} : memref<32768xi32, #tpu.memory_space<vmem>>, vector<16xi32>,
      %get3A_789 = arith.constant 28720 : index
      %get3A_790 = tpu.vector_load %arg11[%get3A_789] {strides = array<i32>} : memref<32768xi32, #tpu.memory_space<vmem>>, vector<16xi32>,
      %add3A_791 = arith.constant 48 : i32
      %add3A_792 = vector.broadcast %add3A_791 : i32 to vector<16xi32>
      %add3A_793 = arith.addi %iota3A, %add3A_792 : vector<16xi32>
      %lt3A_794 = arith.cmpi slt, %add3A_793, %sub3A_734 : vector<16xi32>
      %select_n3A_795 = arith.select %lt3A_794, %get3A_790, %broadcast_in_dim3A_739 : vector<16xi1>, vector<16xi32>
      %mul3A_796 = arith.constant 8 : i32
      %mul3A_797 = arith.muli %scan3A_65, %mul3A_796 : i32
      %add3A_798 = arith.constant 7 : i32
      %add3A_799 = arith.addi %mul3A_797, %add3A_798 : i32
      %mul3A_800 = arith.constant 64 : i32
      %mul3A_801 = arith.muli %add3A_799, %mul3A_800 : i32
      %add3A_802 = arith.constant 48 : i32
      %add3A_803 = arith.addi %mul3A_801, %add3A_802 : i32
      %swap3A_804 = arith.index_cast %add3A_803 : i32 to index
      %swap3A_805 = tpu.vector_load %arg12[%swap3A_804] {strides = array<i32>} : memref<32768xi32, #tpu.memory_space<vmem>>, vector<16xi32>,
      tpu.vector_store %arg12[%swap3A_804], %select_n3A_795 {strides = array<i32>} : memref<32768xi32, #tpu.memory_space<vmem>>, vector<16xi32>,
    }
    %scan3A_60 = arith.constant 64 : i32
    %mul3A_61 = arith.constant 512 : i32
    %mul3A_62 = arith.muli %add3A, %mul3A_61 : i32
    %mul3A_63 = arith.constant 64 : i32
    %mul3A_64 = arith.muli %mul3A_62, %mul3A_63 : i32
    "tpu.region"() ({
      %run_scoped3A = tpu.sem_alloc : memref<!tpu.dma_semaphore, #tpu.memory_space<semaphore_mem>>
      %dma_start3A = tpu.memref_slice %arg3[%mul3A_64] : memref<1048576xi32, #tpu.memory_space<hbm>> -> memref<32768xi32, #tpu.memory_space<hbm>>
      %dma_start3A_65 = tpu.memref_slice %arg3[%mul3A_64] : memref<1048576xi32, #tpu.memory_space<hbm>> -> memref<32768xi32, #tpu.memory_space<hbm>>
      tpu.enqueue_dma source(%arg12 : memref<32768xi32, #tpu.memory_space<vmem>>) target(%dma_start3A_65 : memref<32768xi32, #tpu.memory_space<hbm>>) target_semaphore(%run_scoped3A : memref<!tpu.dma_semaphore, #tpu.memory_space<semaphore_mem>>)
      %dma_wait3A = tpu.memref_slice %arg3[%mul3A_64] : memref<1048576xi32, #tpu.memory_space<hbm>> -> memref<32768xi32, #tpu.memory_space<hbm>>
      %dma_wait3A_66 = tpu.memref_slice %arg3[%mul3A_64] : memref<1048576xi32, #tpu.memory_space<hbm>> -> memref<32768xi32, #tpu.memory_space<hbm>>
      tpu.wait_dma2 semaphore(%run_scoped3A : memref<!tpu.dma_semaphore, #tpu.memory_space<semaphore_mem>>) src(%arg12 : memref<32768xi32, #tpu.memory_space<vmem>>) dst(%dma_wait3A_66 : memref<32768xi32, #tpu.memory_space<hbm>>)
      tpu.yield
    }) : () -> ()
    return
  }
}

</mosaic_0001>

<sc_bundles>
// kernel: kernel.3.cloned.1.call-start
scs
__scs_entry_jumppad:
0x0: {  	(pc) =	sbr.rel $0x88, $3  }
0x1: {  	(tag) =	ssettag $0x0;
	lr =	simm.s32 $0x1  }
0x2: {  	[smem:$0x3FA0] =	sst lr;
	_ =	strace $0xD0000000  }
0x3: {  	_ = 	snop  }
0x4: {  	_ = 	snop  }
0x5: {  	_ = 	snop  }
0x6: {  	_ = 	snop  }
0x7: {  	_ = 	snop  }
__scs_overlays_trampoline_lowered:
0x8: {  	[smem:$0x3FAF] =	sst s0  }
0x9: {  	[smem:$0x3FB0] =	sst s1  }
0xa: {  	[smem:$0x3FB1] =	sst s2  }
0xb: {  	[smem:$0x3FB2] =	sst s3  }
0xc: {  	[smem:$0x3FB3] =	sst s4  }
0xd: {  	[smem:$0x3FB4] =	sst s5  }
0xe: {  	[smem:$0x3FB5] =	sst s6  }
0xf: {  	[smem:$0x3FB6] =	sst s7  }
0x10: {  	[smem:$0x3FB7] =	sst s8  }
0x11: {  	[smem:$0x3FB8] =	sst s9;
	s0 =	simm.s32 @!p0 $0x0  }
0x12: {  	s1 =	sld [smem:$0x3F9E];
	s0 =	simm.s32 @p0 $0x1  }
0x13: {  	[smem:$0x3FB9] =	sst s0;
	s0 =	simm.s32 @!p1 $0x0  }
0x14: {  	s2 =	sld [smem:$0x3F9D];
	s0 =	simm.s32 @p1 $0x1  }
0x15: {  	[smem:$0x3FBA] =	sst s0;
	s0 =	simm.s32 @!p2 $0x0  }
0x16: {  	s3 =	sld [smem:$0x3FDB];
	s0 =	simm.s32 @p2 $0x1  }
0x17: {  	s4 =	simm.s32 $0x1BF5;
	[smem:$0x3FBC] =	sst s0  }
0x18: {  	s0 =	sld [smem:$0x3F9F];
	_ =	swait.ge [sflag:s4], $0x0  }
0x19: {  	s7 =	sld [smem:$0x3FA0]  }
0x1a: {  	s8 =	sadd.s32 $0xFFFFE003, lr  }
0x1b: {  	s9 =	sadd.s32 $0xFFFFFEF7, lr;
	s5 =	simm.s32 $0xFFFFFFFF;
	p2 =	slt.u32 s8, $0xFFFFF086  }
0x1c: {  	p1 =	slt.u32 s9, $0xF7A;
	s5 =	simm.s32 @!p2 $0x0  }
0x1d: {  	s5 =	simm.s32 @p1 $0x1;
	p0 =	seq.s32 s7, s2  }
0x1e: {  	s7 =	smul.u32 @!p0 $0xF7A, s2;
	p2 =	seq.s32 @!p0 s5, $0x0  }
0x1f: {  	s9 =	smul.u32 $0xF7A, s1;
	s8 =	simm.s32 @!p0 $0x1BF5;
	p2 =	por !p2, p0  }
0x20: {  	[sflag:s8] =	ssyncset.s32 @!p0 $0xFFFFF086;
	s6 =	sadd.s32 @!p0 s3, s7;
	s7 =	simm.s32 @!p0 $0x108  }
0x21: {  	s3 =	sadd.s32 s3, s9;
	s6 =	sadd.s32 @!p0 $0x88, s6;
	s7 =	simm.s32 @p2 $0x1082  }
0x22: {  	[simem:s7], [sflag:s8] =	dma.local @!p0 [hbm:s6], $0xF7A  }
0x23: {  	s9 =	sor.u32 $0xD0000000, s2;
	s6 =	simm.s32 $0x108;
	_ =	swait.ge @!p0 [sflag:s8], $0x0  }
0x24: {  	s3 =	sadd.s32 $0x88, s3;
	s6 =	simm.s32 @!p1 $0x1082;
	[sflag:s4] =	ssyncset.s32 $0xFFFFF086  }
0x25: {  	[simem:s6], [sflag:s4] =	dma.local [hbm:s3], $0xF7A  }
0x26: {  	[smem:$0x3FA0] =	sst s1;
	(tag) =	ssettag s2;
	_ =	strace s9  }
0x27: {  	s1 =	sld [smem:$0x3FB0]  }
0x28: {  	s2 =	sld [smem:$0x3FB1]  }
0x29: {  	s4 =	sld [smem:$0x3FB3]  }
0x2a: {  	p0 =	seq.s32 s5, $0x0;
	s5 =	sld [smem:$0x3FB4]  }
0x2b: {  	s6 =	sld [smem:$0x3FB5]  }
0x2c: {  	s7 =	sld [smem:$0x3FB6]  }
0x2d: {  	s3 =	simm.s32 $0x108;
	s8 =	sld [smem:$0x3FB7]  }
0x2e: {  	s3 =	simm.s32 @!p0 $0x1082;
	s9 =	sld [smem:$0x3FB8]  }
0x2f: {  	lr =	sadd.s32 s0, s3;
	s0 =	sld [smem:$0x3FAF]  }
0x30: {  	s3 =	sld [smem:$0x3FB2]  }
0x31: {  	[smem:$0x3FBB] =	sst s10  }
0x32: {  	s10 =	sld [smem:$0x3FB9];
	_ =	sdelay $0x3  }
0x33: {  	p0 =	seq.s32 s10, $0x1;
	s10 =	sld [smem:$0x3FBB];
	_ =	sdelay $0x3  }
0x34: {  	[smem:$0x3FBB] =	sst s10  }
0x35: {  	s10 =	sld [smem:$0x3FBA];
	_ =	sdelay $0x3  }
0x36: {  	p1 =	seq.s32 s10, $0x1;
	s10 =	sld [smem:$0x3FBB];
	_ =	sdelay $0x3  }
0x37: {  	[smem:$0x3FBB] =	sst s10  }
0x38: {  	s10 =	sld [smem:$0x3FBC]  }
0x39: {  	_ = 	snop;
	(pc) =	sbr.ind lr, $3  }
0x3a: {  	_ = 	snop  }
0x3b: {  	_ = 	snop  }
0x3c: {  	p2 =	seq.s32 s10, $0x1;
	s10 =	sld [smem:$0x3FBB]  }
0x3d: {  	_ =	shalt  }
0x3e: {  	_ =	shalt  }
0x3f: {  	_ =	shalt  }
0x40: {  	_ =	shalt  }
0x41: {  	_ =	shalt  }
0x42: {  	_ =	shalt  }
0x43: {  	_ =	shalt  }
0x44: {  	_ =	shalt  }
0x45: {  	_ =	shalt  }
0x46: {  	_ =	shalt  }
0x47: {  	_ =	shalt  }
0x48: {  	_ =	shalt  }
0x49: {  	_ =	shalt  }
0x4a: {  	_ =	shalt  }
0x4b: {  	_ =	shalt  }
0x4c: {  	_ =	shalt  }
0x4d: {  	_ =	shalt  }
0x4e: {  	_ =	shalt  }
0x4f: {  	_ =	shalt  }
0x50: {  	_ =	shalt  }
0x51: {  	_ =	shalt  }
0x52: {  	_ =	shalt  }
0x53: {  	_ =	shalt  }
0x54: {  	_ =	shalt  }
0x55: {  	_ =	shalt  }
0x56: {  	_ =	shalt  }
0x57: {  	_ =	shalt  }
0x58: {  	_ =	shalt  }
0x59: {  	_ =	shalt  }
0x5a: {  	_ =	shalt  }
0x5b: {  	_ =	shalt  }
0x5c: {  	_ =	shalt  }
0x5d: {  	_ =	shalt  }
0x5e: {  	_ =	shalt  }
0x5f: {  	_ =	shalt  }
0x60: {  	_ =	shalt  }
0x61: {  	_ =	shalt  }
0x62: {  	_ =	shalt  }
0x63: {  	_ =	shalt  }
0x64: {  	_ =	shalt  }
0x65: {  	_ =	shalt  }
0x66: {  	_ =	shalt  }
0x67: {  	_ =	shalt  }
0x68: {  	_ =	shalt  }
0x69: {  	_ =	shalt  }
0x6a: {  	_ =	shalt  }
0x6b: {  	_ =	shalt  }
0x6c: {  	_ =	shalt  }
0x6d: {  	_ =	shalt  }
0x6e: {  	_ =	shalt  }
0x6f: {  	_ =	shalt  }
0x70: {  	_ =	shalt  }
0x71: {  	_ =	shalt  }
0x72: {  	_ =	shalt  }
0x73: {  	_ =	shalt  }
0x74: {  	_ =	shalt  }
0x75: {  	_ =	shalt  }
0x76: {  	_ =	shalt  }
0x77: {  	_ =	shalt  }
0x78: {  	_ =	shalt  }
0x79: {  	_ =	shalt  }
0x7a: {  	_ =	shalt  }
0x7b: {  	_ =	shalt  }
0x7c: {  	_ =	shalt  }
0x7d: {  	_ =	shalt  }
0x7e: {  	_ =	shalt  }
0x7f: {  	_ =	shalt  }
0x80: {  	_ =	shalt  }
0x81: {  	_ =	shalt  }
0x82: {  	_ =	shalt  }
0x83: {  	_ =	shalt  }
0x84: {  	_ =	shalt  }
0x85: {  	_ =	shalt  }
0x86: {  	_ =	shalt  }
0x87: {  	_ =	shalt  }
.Lfunc_end0:
.L_simem_size_0:
called_computation_lowered:
.L_overlay_start_0:
0x88: {  	s2 =	sld [smem:$0x3FD9]  }
0x89: {  	s3 =	sld [smem:$0x3FFE];
	_ =	sdelay $0x1  }
0x8a: {  	s1 =	srdreg.scid  }
0x8b: {  	s0 =	sand.u32 $0x1, s1  }
0x8c: {  	s17 =	sshll.u32 s0, $0xA;
	s2 =	sadd.s32 s3, s2  }
0x8d: {  	s2 =	sadd.s32 s2, s17  }
0x8e: {  	[smem:$0x3FC7] =	sst s2  }
0x8f: {  	_ = 	snop  }
0x90: {  	s2 =	sld [smem:$0x3FD0];
	(tm) =	ssettm $0x1  }
0x91: {  	s18 =	sld [smem:$0x3FFB];
	_ =	sdelay $0x3  }
0x92: {  	_ =	strace s18  }
0x93: {  	s3 =	sld [smem:$0x3FFC];
	_ =	sdelay $0x3  }
0x94: {  	_ =	strace s3  }
0x95: {  	s3 =	sld [smem:$0x3FFD];
	_ =	sdelay $0x3  }
0x96: {  	_ =	strace s3  }
0x97: {  	_ =	strace $0x8FFFFFFF  }
0x98: {  	s19 =	sld [smem:$0x3FDB];
	_ =	sdelay $0x1  }
0x99: {  	s4 =	simm.s32 $_scs_section_size  }
0x9a: {  	s5 =	simm.s32 $_size__tile_overlayer_lowered;
	s6 =	simm.s32 $_tile_overlayer_lowered  }
0x9b: {  	s22 =	simm.s32 $0x1BFF;
	s21 =	sshll.u32 s6, $0x1;
	s3 =	sadd.s32 s4, s19  }
0x9c: {  	s7 =	simm.s32 $0x0;
	s20 =	sshll.u32 s5, $0x1;
	s5 =	sadd.s32 s21, s3  }
0x9d: {  	[timem:s7], [sflag:s22] =	dma.local [hbm:s5], s20  }
0x9e: {  	_ =	swait.ge [sflag:s22], s20  }
0x9f: {  	s4 =	ssub.s32 $0x0, s20;
	[sflag:s22] =	ssyncset.done $0x0  }
0xa0: {  	[sflag:s22] =	ssyncadd.s32 s4;
	_ =	sdelay $0x1  }
0xa1: {  	s23 =	simm.s32 $0x1B8B  }
0xa2: {  	_ =	swait.ge [sflag:s23], $0x1  }
0xa3: {  	[sflag:s23] =	ssyncset.done $0x0  }
0xa4: {  	s25 =	simm.s32 $0x1B8E;
	s24 =	sld [smem:$0x3FFE];
	[sflag:s23] =	ssyncadd.s32 $0xFFFFFFFF  }
0xa5: {  	s26 =	simm.s32 $execute0_lowered;
	[smem:$0x3FD2] =	sst s25  }
0xa6: {  	s5 =	sshll.u32 s26, $0x1;
	_ =	strace $0x80000046;
	[dreg:$0x1] =	wrdreg $0xFFFFFFFF  }
0xa7: {  	s28 =	simm.s32 $_size_execute0_lowered;
	s3 =	sadd.s32 s3, s5;
	[dreg:$0x0] =	wrdreg $0x0  }
0xa8: {  	s5 =	sshll.u32 s28, $0x1;
	[dreg:$0x2] =	wrdreg s3  }
0xa9: {  	[dreg:$0x3] =	wrdreg s5  }
0xaa: {  	[dreg:$0x4] =	wrdreg $0xC0  }
0xab: {  	_ =	task [dreg:s7], $0x5FFFF  }
0xac: {  	[dreg:$0x1] =	wrdreg $0xFFFFFFFF  }
0xad: {  	[dreg:$0x0] =	wrdreg $0x60  }
0xae: {  	[dreg:$0x2] =	wrdreg s24  }
0xaf: {  	[dreg:$0x3] =	wrdreg s2  }
0xb0: {  	[dreg:$0x4] =	wrdreg $0x9  }
0xb1: {  	_ =	task.clear_ibuf [dreg:s7], $0x5FFFF;
	_ =	strace $0x90000046  }
0xb2: {  	s29 =	simm.s32 $0x9;
	_ =	strace $0x80000048  }
0xb3: {  	_ =	swait.ge [sflag:s29], $0x1  }
0xb4: {  	[sflag:s29] =	ssyncadd.s32 $0xFFFFFFFF  }
0xb5: {  	_ =	strace $0x90000048  }
0xb6: {  	_ =	sfence  }
0xb7: {  	s30 =	sld [smem:$0x0];
	_ =	sdelay $0x2  }
0xb8: {  	s31 =	sshll.u32 s1, $0xD;
	s1 =	sshrl.u32 s1, $0x2  }
0xb9: {  	s3 =	sand.u32 $0x4000, s31;
	s1 =	sadd.s32 s1, s30  }
0xba: {  	s0 =	sor.u32 s3, s0;
	s1 =	sshll.u32 s1, $0x11  }
0xbb: {  	s0 =	sor.u32 s1, s0  }
0xbc: {  	s0 =	sadd.s32 $0x8F2B, s0  }
0xbd: {  	[sflag:s0] =	ssyncadd.remote.s32 $0x1  }
0xbe: {  	_ =	sfence.sel $0xFFFF  }
0xbf: {  	[dreg:$0x0] =	wrdreg $0xFFFFFFFF;
	(pc) =	sbr.abs _section_cstart, $3  }
0xc0: {  	[dreg:$0x1] =	wrdreg $0xFFFFFFFF  }
0xc1: {  	_ =	task.clear_ibuf [dreg:s7], $0x2FFFF;
	_ =	strace $0x9FFFFFFF  }
0xc2: {  	(tm) =	ssettm $0x7FFFFFFF  }
0xc3: {  	_ =	shalt  }
tec
execute0_lowered:
.L_overlay_start_1:
0x0: {  	(tag) =	ssettag $0x1  }
0x1: {  	s3 =	rddreg [dreg:$0x0]  }
0x2: {  	s7 =	rddreg [dreg:$0x1]  }
0x3: {  	s0 =	rddreg [dreg:$0x2];
	s2 =	simm.s32 $0x0;
	s1 =	stileid.u32  }
0x4: {  	s5 =	srdreg.scid;
	s11 =	simm.s32 $0x2000;
	s12 =	simm.s32 $0x7000  }
0x5: {  	s13 =	simm.s32 $0xF000;
	s14 =	simm.s32 $0x0;
	[smem:$0x7FF] =	sst s2  }
0x6: {  	s4 =	sshrl.u32 s1, $0x2;
	s5 =	sand.u32 $0x1, s5;
	s6 =	sshll.u32 s1, $0x1  }
0x7: {  	s4 =	smul.u32 $0x3000, s4;
	s8 =	ssub.s32 $0x2, s5;
	s6 =	sor.u32 s5, s6  }
0x8: {  	_ =	strace $0x80000047;
	s30 =	sshrl.u32 s8, $0x1;
	s9 =	sshll.u32 s6, $0x9  }
0x9: {  	s31 =	sshll.u32 s6, $0xC;
	s4 =	sshrl.u32 s4, $0x3;
	s8 =	ssub.s32 s8, s30  }
0xa: {  	s7 =	sadd.s32 s7, s31;
	s10 =	sadd.s32 s4, s3;
	s3 =	sand.u32 $0xE00, s9  }
0xb: {  	s8 =	smax.u32 s8, $0x1;
	s9 =	simm.s32 $0x1;
	s4 =	sadd.s32 $0x400, s10  }
0xc: {  	v63 =	vlaneseq.u32;
	v1 =	vimm.s32 $0x1;
	s5 =	sadd.s32 $0x600, s10;
	s6 =	sadd.s32 $0x800, s10;
	s10 =	simm.s32 $0x1000  }
.LBB2_1:
0xd: {  	[tilespmem:s2], [sflag:$0x1] =	stream.linear.gather [hbm4b:s4+s2], $0x1000, $0x38;
	[tilespmem:$0x17000] =	vst v63  }
0xe: {  	_ =	swait.ge [sflag:s9], $0x1000  }
0xf: {  	[sflag:s9] =	ssyncset.done $0x0  }
0x10: {  	[sflag:s9] =	ssyncadd.s32 $0xFFFFF000  }
0x11: {  	[tilespmem:s10], [sflag:$0x1] =	stream.linear.gather [hbm4b:s5+s2], $0x1000, $0x38;
	[tilespmem:$0x17000] =	vst v63  }
0x12: {  	_ =	swait.ge [sflag:s9], $0x1000  }
0x13: {  	[sflag:s9] =	ssyncset.done $0x0  }
0x14: {  	[sflag:s9] =	ssyncadd.s32 $0xFFFFF000  }
0x15: {  	[tilespmem:s11], [sflag:$0x1] =	stream.linear.gather [hbm4b:s6+s2], $0x1000, $0x38;
	[tilespmem:$0x17000] =	vst v63  }
0x16: {  	_ =	swait.ge [sflag:s9], $0x1000  }
0x17: {  	[sflag:s9] =	ssyncset.done $0x0  }
0x18: {  	s16 =	simm.s32 $0x0;
	[sflag:s9] =	ssyncadd.s32 $0xFFFFF000  }
0x19: {  	v2 =	vld [tilespmem:s16+$0x0]  }
0x1a: {  	v3 =	vld [tilespmem:s16+$0x1000]  }
0x1b: {  	v6 =	vld [tilespmem:s16+$0x2000];
	_ =	sdelay $0x3  }
0x1c: {  	s15 =	simm.s32 $0x10;
	v5 =	vmul.f32 v2, v2;
	v7 =	vmul.f32 v3, v3;
	v8 =	vshrl.u32 v2, $0x10  }
0x1d: {  	v4 =	vld [tilespmem:s15+$0x0];
	v9 =	vshrl.u32 v3, $0x10;
	v10 =	vmul.f32 v6, v6;
	v11 =	vshrl.u32 v6, $0x10  }
0x1e: {  	v8 =	vand.u32 $0x1, v8;
	v9 =	vand.u32 $0x1, v9;
	v7 =	vadd.f32 v7, v5;
	v5 =	vld [tilespmem:s15+$0x1000]  }
0x1f: {  	v8 =	vadd.s32 v8, v2;
	v3 =	vadd.s32 v9, v3;
	v9 =	vand.u32 $0x1, v11  }
0x20: {  	v2 =	vld [tilespmem:s15+$0x2000];
	v8 =	vadd.s32 $0x7FFF, v8;
	v6 =	vadd.s32 v9, v6  }
0x21: {  	v3 =	vadd.s32 $0x7FFF, v3;
	v7 =	vadd.f32 v10, v7;
	v8 =	vand.u32 $0xFFFF0000, v8  }
0x22: {  	v9 =	vshrl.u32 v4, $0x10;
	v6 =	vadd.s32 $0x7FFF, v6;
	v11 =	vand.u32 $0xFFFF0000, v3;
	[tilespmem:s16+$0x3000] =	vst v8  }
0x23: {  	s17 =	simm.s32 $0x20;
	[tilespmem:s16+$0x6000] =	vst v7;
	v7 =	vmul.f32 v4, v4;
	v8 =	vshrl.u32 v5, $0x10;
	v10 =	vmul.f32 v5, v5  }
0x24: {  	s18 =	simm.s32 $0xC0;
	v9 =	vand.u32 $0x1, v9;
	v6 =	vand.u32 $0xFFFF0000, v6;
	v3 =	vld [tilespmem:s17+$0x0];
	[tilespmem:s16+$0x4000] =	vst v11;
	v8 =	vand.u32 $0x1, v8  }
.LBB2_2:
0x25: {  	p0 =	sne.s32 s18, $0x3FC0;
	v11 =	vld [tilespmem:s17+$0x1000];
	v7 =	vadd.f32 v10, v7;
	v10 =	vmul.f32 v2, v2;
	v12 =	vshrl.u32 v2, $0x10;
	[tilespmem:s16+$0x5000] =	vst v6;
	s16 =	smov.u32 s15;
	s15 =	smov.u32 s17  }
0x26: {  	v4 =	vadd.s32 v9, v4;
	v5 =	vadd.s32 v8, v5;
	v6 =	vand.u32 $0x1, v12  }
.Ltmp0:
0x27: {  	v7 =	vadd.f32 v10, v7;
	v10 =	vadd.s32 $0x7FFF, v4;
	v6 =	vadd.s32 v6, v2;
	v2 =	vld [tilespmem:s15+$0x2000];
	(pc) =	sbr.rel @p0 .LBB2_2-.Ltmp0, $4  }
0x28: {  	v0 =	vadd.s32 $0x7FFF, v5;
	v8 =	vand.u32 $0xFFFF0000, v10;
	v14 =	vadd.s32 $0x7FFF, v6  }
0x29: {  	v12 =	vand.u32 $0xFFFF0000, v0;
	v9 =	vshrl.u32 v3, $0x10;
	[tilespmem:s16+$0x6000] =	vst v7;
	v6 =	vand.u32 $0xFFFF0000, v14;
	v4 =	vmovc v3  }
0x2a: {  	s17 =	sshra.s32 s18, $0x2;
	v7 =	vmul.f32 v3, v4;
	v10 =	vmul.f32 v11, v11;
	v13 =	vshrl.u32 v11, $0x10;
	[tilespmem:s16+$0x3000] =	vst v8;
	v5 =	vmovc v11  }
0x2b: {  	s18 =	sadd.s32 $0x40, s18;
	v9 =	vand.u32 $0x1, v9;
	v3 =	vld [tilespmem:s17+$0x0];
	v8 =	vand.u32 $0x1, v13;
	[tilespmem:s16+$0x4000] =	vst v12  }
0x2c: {  	v11 =	vld [tilespmem:s17+$0x1000];
	v7 =	vadd.f32 v10, v7;
	[tilespmem:s16+$0x5000] =	vst v6;
	v50 =	vmul.f32 v2, v2  }
0x2d: {  	v51 =	vshrl.u32 v2, $0x10;
	v4 =	vadd.s32 v9, v4;
	v5 =	vadd.s32 v8, v5;
	v52 =	vld [tilespmem:s17+$0x2000]  }
0x2e: {  	v53 =	vand.u32 $0x1, v51;
	v4 =	vadd.s32 $0x7FFF, v4;
	v5 =	vadd.s32 $0x7FFF, v5  }
0x2f: {  	v6 =	vadd.f32 v50, v7;
	v2 =	vadd.s32 v53, v2;
	v4 =	vand.u32 $0xFFFF0000, v4  }
0x30: {  	v5 =	vand.u32 $0xFFFF0000, v5;
	v2 =	vadd.s32 $0x7FFF, v2;
	v54 =	vmul.f32 v3, v3  }
0x31: {  	v56 =	vshrl.u32 v3, $0x10;
	v2 =	vand.u32 $0xFFFF0000, v2;
	v55 =	vmul.f32 v11, v11  }
0x32: {  	[tilespmem:s15+$0x3000] =	vst v4;
	v57 =	vshrl.u32 v11, $0x10;
	v59 =	vand.u32 $0x1, v56;
	v58 =	vmul.f32 v52, v52  }
0x33: {  	[tilespmem:s15+$0x6000] =	vst v6;
	v6 =	vand.u32 $0x1, v57;
	v60 =	vshrl.u32 v52, $0x10;
	v3 =	vadd.s32 v59, v3  }
0x34: {  	[tilespmem:s15+$0x5000] =	vst v2;
	v7 =	vadd.f32 v55, v54;
	v2 =	vadd.s32 v6, v11;
	v3 =	vadd.s32 $0x7FFF, v3  }
0x35: {  	[tilespmem:s15+$0x4000] =	vst v5;
	v5 =	vand.u32 $0x1, v60;
	v3 =	vand.u32 $0xFFFF0000, v3;
	v2 =	vadd.s32 $0x7FFF, v2  }
0x36: {  	v5 =	vadd.s32 v5, v52;
	v61 =	vadd.f32 v58, v7;
	v2 =	vand.u32 $0xFFFF0000, v2;
	[tilespmem:s17+$0x3000] =	vst v3  }
0x37: {  	v62 =	vadd.s32 $0x7FFF, v5;
	[tilespmem:s17+$0x4000] =	vst v2  }
0x38: {  	v3 =	vand.u32 $0xFFFF0000, v62;
	[tilespmem:s17+$0x6000] =	vst v61  }
0x39: {  	s15 =	simm.s32 $0x0;
	[tilespmem:s17+$0x5000] =	vst v3  }
.LBB2_4:
0x3a: {  	s16 =	sshll.u32 s15, $0x3  }
0x3b: {  	s19 =	sadd.s32 s3, s16  }
0x3c: {  	v2 =	vmov s19  }
0x3d: {  	v2 =	vand.u32 $0xFFFFFFF8, v2  }
0x3e: {  	s26 =	sor.u32 $0x2, s19;
	v33 =	vbroadcast v2, $0x0  }
0x3f: {  	v3 =	vmov s26  }
0x40: {  	v3 =	vand.u32 $0xFFFFFFFA, v3  }
0x41: {  	s17 =	simm.s32 $0x4000;
	s16 =	sor.u32 $0x1, s19;
	s20 =	sor.u32 $0x3, s19;
	v35 =	vbroadcast v3, $0x0  }
0x42: {  	v50 =	vld [tilespmem:s17+$0x0];
	v5 =	vmov s20;
	v2 =	vmov s16;
	s16 =	simm.s32 $0x3000  }
0x43: {  	v5 =	vand.u32 $0xFFFFFFFB, v5;
	v51 =	vld [tilespmem:s16+$0x0]  }
0x44: {  	s28 =	sor.u32 $0x4, s19;
	v36 =	vbroadcast v5, $0x0;
	v4 =	vld.idx.msk [tilespmem:v33+s16+$0x0], $0xffff  }
0x45: {  	s18 =	simm.s32 $0x5000;
	v8 =	vmov s28;
	v3 =	vld.idx.msk [tilespmem:v33+s17+$0x0], $0xffff  }
0x46: {  	v8 =	vand.u32 $0xFFFFFFFC, v8;
	v6 =	vld.idx.msk [tilespmem:v33+s18+$0x0], $0xffff  }
0x47: {  	s29 =	sor.u32 $0x5, s19;
	v37 =	vbroadcast v8, $0x0;
	v16 =	vld.idx.msk [tilespmem:v35+s16+$0x0], $0xffff  }
0x48: {  	v10 =	vmov s29;
	v8 =	vld.idx.msk [tilespmem:v35+s17+$0x0], $0xffff  }
0x49: {  	v10 =	vand.u32 $0xFFFFFFFD, v10;
	v18 =	vld.idx.msk [tilespmem:v35+s18+$0x0], $0xffff  }
0x4a: {  	v38 =	vbroadcast v10, $0x0;
	v19 =	vld.idx.msk [tilespmem:v36+s16+$0x0], $0xffff  }
0x4b: {  	v20 =	vld.idx.msk [tilespmem:v36+s17+$0x0], $0xffff  }
0x4c: {  	s30 =	sor.u32 $0x6, s19;
	v2 =	vand.u32 $0xFFFFFFF9, v2;
	v21 =	vld.idx.msk [tilespmem:v36+s18+$0x0], $0xffff  }
0x4d: {  	v10 =	vmov s30;
	v2 =	vbroadcast v2, $0x0;
	v23 =	vld.idx.msk [tilespmem:v37+s16+$0x0], $0xffff  }
0x4e: {  	v10 =	vand.u32 $0xFFFFFFFE, v10;
	v26 =	vld.idx.msk [tilespmem:v37+s17+$0x0], $0xffff  }
0x4f: {  	v41 =	vbroadcast v10, $0x0;
	v27 =	vld.idx.msk [tilespmem:v37+s18+$0x0], $0xffff  }
0x50: {  	v29 =	vld.idx.msk [tilespmem:v38+s16+$0x0], $0xffff  }
0x51: {  	v31 =	vld.idx.msk [tilespmem:v38+s17+$0x0], $0xffff  }
0x52: {  	s19 =	sor.u32 $0x7, s19;
	v32 =	vld.idx.msk [tilespmem:v38+s18+$0x0], $0xffff  }
0x53: {  	v62 =	vmov s19;
	v7 =	vld.idx.msk [tilespmem:v2+s16+$0x0], $0xffff;
	v10 =	vmul.f32 $-2.000000000e+00, v4  }
0x54: {  	v5 =	vld.idx.msk [tilespmem:v2+s17+$0x0], $0xffff;
	v11 =	vadd.f32 v3, v3;
	v12 =	vadd.f32 v6, v6;
	v16 =	vmul.f32 $-2.000000000e+00, v16  }
0x55: {  	v34 =	vld.idx.msk [tilespmem:v41+s16+$0x0], $0xffff;
	v17 =	vadd.f32 v8, v8;
	v18 =	vadd.f32 v18, v18;
	v19 =	vmul.f32 $-2.000000000e+00, v19  }
0x56: {  	v9 =	vld.idx.msk [tilespmem:v2+s18+$0x0], $0xffff;
	v22 =	vadd.f32 v20, v20;
	v24 =	vadd.f32 v21, v21;
	v25 =	vmul.f32 $-2.000000000e+00, v23  }
0x57: {  	v49 =	vld [tilespmem:s18+$0x0];
	v28 =	vadd.f32 v26, v26;
	v23 =	vadd.f32 v27, v27;
	v30 =	vmul.f32 $-2.000000000e+00, v29  }
0x58: {  	v31 =	vadd.f32 v31, v31;
	v32 =	vadd.f32 v32, v32;
	v13 =	vmul.f32 $-2.000000000e+00, v7  }
0x59: {  	v39 =	vld.idx.msk [tilespmem:v41+s17+$0x0], $0xffff;
	v8 =	vimm.s32 $0xFFF;
	v47 =	vmul.f32 v50, v11;
	v56 =	vmul.f32 v51, v10  }
0x5a: {  	v4 =	vld.idx.msk [tilespmem:v41+s18+$0x0], $0xffff;
	v14 =	vadd.f32 v5, v5;
	v26 =	vmul.f32 $-2.000000000e+00, v34;
	v43 =	vmul.f32 v51, v19  }
0x5b: {  	v3 =	vld.idx.msk [tilespmem:v62+s16+$0x0], $0xffff;
	v15 =	vadd.f32 v9, v9;
	v45 =	vmul.f32 v50, v22;
	v53 =	vmul.f32 v50, v28  }
0x5c: {  	v6 =	vld.idx.msk [tilespmem:v62+s18+$0x0], $0xffff;
	v9 =	vimm.s32 $0xFFFFFFFF;
	v46 =	vmul.f32 v49, v24;
	v60 =	vmul.f32 v50, v31  }
0x5d: {  	v7 =	vimm.s32 $0x1FFF;
	v54 =	vmul.f32 v50, v17;
	v55 =	vmul.f32 v51, v30  }
0x5e: {  	s31 =	simm.s32 $0x6000;
	v34 =	vadd.f32 v39, v39;
	v57 =	vmul.f32 v51, v25;
	v59 =	vmul.f32 v49, v32  }
0x5f: {  	v39 =	vld.idx.msk [tilespmem:v2+s31+$0x0], $0xffff;
	v2 =	vimm.s32 $0x6FFF;
	v40 =	vmul.f32 v51, v13;
	v44 =	vmul.f32 v50, v14  }
0x60: {  	v5 =	vld.idx.msk [tilespmem:v62+s17+$0x0], $0xffff;
	v61 =	vmul.f32 v49, v15;
	v20 =	vadd.f32 v4, v4;
	v29 =	vmul.f32 $-2.000000000e+00, v3  }
0x61: {  	v21 =	vadd.f32 v6, v6;
	v6 =	vimm.s32 $0x2FFF;
	v4 =	vimm.s32 $0x4FFF  }
0x62: {  	v42 =	vld.idx.msk [tilespmem:v36+s31+$0x0], $0xffff;
	v52 =	vmul.f32 v50, v34;
	v43 =	vsub.f32 v43, v45;
	v36 =	vsub.f32 v40, v44  }
0x63: {  	v48 =	vld [tilespmem:s31+$0x0];
	v3 =	vimm.s32 $0x5FFF;
	v55 =	vsub.f32 v55, v60;
	v60 =	vsub.f32 v56, v47  }
0x64: {  	p0 =	por $0x1, $0x1;
	v45 =	vld.idx.msk [tilespmem:v33+s31+$0x0], $0xffff;
	v47 =	vimm.s32 $0xFFFFFFFF;
	v36 =	vsub.f32 v36, v61;
	v61 =	vmul.f32 v51, v16  }
.Ltmp1:
0x65: {  	v44 =	vmul.f32 v49, v18;
	v40 =	vld.idx.msk [tilespmem:v37+s31+$0x0], $0xffff;
	v27 =	vadd.f32 v5, v5;
	v33 =	vsub.f32 v43, v46;
	(pc) =	sbr.rel @!p0 .LBB2_6-.Ltmp1, $4  }
0x66: {  	v37 =	vimm.s32 $0x3FFF;
	v46 =	vld.idx.msk [tilespmem:v35+s31+$0x0], $0xffff;
	v35 =	vadd.f32 v36, v39;
	v36 =	vsub.f32 v61, v54  }
0x67: {  	v5 =	vimm.s32 $0x3FFF;
	v43 =	vld.idx.msk [tilespmem:v38+s31+$0x0], $0xffff;
	v38 =	vimm.s32 $0x2FFF;
	v56 =	vadd.f32 v33, v42  }
0x68: {  	v33 =	vimm.s32 $0x6FFF;
	v61 =	vmul.f32 v49, v12;
	v58 =	vsub.f32 v36, v44;
	v44 =	vld.idx.msk [tilespmem:v41+s31+$0x0], $0xffff  }
0x69: {  	s21 =	simm.s32 $0x6010;
	s20 =	simm.s32 $0x10;
	s19 =	simm.s32 $0x0;
	v54 =	vadd.f32 v35, v48;
	v41 =	vld.idx.msk [tilespmem:v62+s31+$0x0], $0xffff;
	v36 =	vimm.s32 $0x4FFF;
	v35 =	vimm.s32 $0x5FFF  }
.LBB2_5:
0x6a: {  	v60 =	vsub.f32 v60, v61;
	v53 =	vsub.f32 v57, v53;
	v57 =	vmul.f32 v49, v23;
	s16 =	sadd.s32 $0x10, s16;
	s17 =	sadd.s32 $0x10, s17;
	s18 =	sadd.s32 $0x10, s18  }
0x6b: {  	p0 =	sne.s32 s20, $0xFF0;
	s22 =	smov.u32 s20;
	s20 =	sadd.s32 $0x10, s20;
	v58 =	vadd.f32 v58, v46;
	v55 =	vsub.f32 v55, v59;
	v59 =	vmul.f32 v51, v26  }
0x6c: {  	v56 =	vadd.f32 v56, v48;
	v51 =	vmul.f32 v51, v29;
	v60 =	vadd.f32 v60, v45  }
0x6d: {  	v53 =	vsub.f32 v53, v57;
	v57 =	vmul.f32 v49, v20;
	v52 =	vsub.f32 v59, v52  }
0x6e: {  	v50 =	vmul.f32 v50, v27;
	v58 =	vadd.f32 v58, v48;
	v59 =	vadd.f32 v60, v48  }
0x6f: {  	v49 =	vmul.f32 v49, v21;
	v55 =	vadd.f32 v55, v43;
	v52 =	vsub.f32 v52, v57  }
0x70: {  	v50 =	vsub.f32 v51, v50;
	v53 =	vadd.f32 v53, v40;
	vm2 =	vle.f32 v59, $2.250000090e-02  }
0x71: {  	vm1 =	vle.f32 v54, $2.250000090e-02;
	v51 =	vadd.f32 v55, v48;
	v52 =	vadd.f32 v52, v44;
	(xrf0) =	vadd.scan.msk.s32 vm2, v1  }
0x72: {  	vm0 =	vle.f32 v58, $2.250000090e-02;
	v49 =	vsub.f32 v50, v49;
	v53 =	vadd.f32 v53, v48;
	(xrf0) =	vadd.scan.msk.s32 vm1, v1  }
0x73: {  	vm3 =	vle.f32 v56, $2.250000090e-02;
	v50 =	vmpcnt.ones.xlane vm2;
	v52 =	vadd.f32 v52, v48;
	(xrf0) =	vadd.scan.msk.s32 vm0, v1  }
0x74: {  	v54 =	vmpcnt.ones.xlane vm3;
	v49 =	vadd.f32 v49, v41;
	vm4 =	vle.f32 v53, $2.250000090e-02;
	(xrf0) =	vadd.scan.msk.s32 vm3, v1  }
0x75: {  	vm5 =	vle.f32 v51, $2.250000090e-02;
	v9 =	vadd.s32 v9, v50;
	v0 =	vmpcnt.ones.xlane vm4;
	(xrf0) =	vadd.scan.msk.s32 vm4, v1  }
0x76: {  	v51 =	vmpcnt.ones.xlane vm5;
	vm6 =	vle.f32 v52, $2.250000090e-02;
	v52 =	vadd.f32 v49, v48;
	(xrf0) =	vadd.scan.msk.s32 vm5, v1  }
0x77: {  	v6 =	vadd.s32 v6, v54;
	v5 =	vadd.s32 v5, v0;
	v49 =	vmpcnt.ones.xlane vm6;
	v50, _, _ =	vpop (xrf0);
	(xrf0) =	vadd.scan.msk.s32 vm6, v1  }
0x78: {  	v4 =	vadd.s32 v4, v51;
	vm7 =	vle.f32 v52, $2.250000090e-02;
	v47 =	vadd.s32 v47, v50;
	v48, _, _ =	vpop (xrf0)  }
0x79: {  	v3 =	vadd.s32 v3, v49;
	v49 =	vmpcnt.ones.xlane vm7;
	v48 =	vadd.s32 v8, v48;
	v50, _, _ =	vpop (xrf0);
	(xrf0) =	vadd.scan.msk.s32 vm7, v1  }
0x7a: {  	v51 =	vmpcnt.ones.xlane vm1;
	v52 =	vmpcnt.ones.xlane vm0;
	v50 =	vadd.s32 v7, v50;
	v53, _, _ =	vpop (xrf0)  }
0x7b: {  	v54 =	vor.u32 s19, v63;
	s19 =	smov.u32 s22;
	v2 =	vadd.s32 v2, v49;
	v53 =	vadd.s32 v38, v53;
	v38, _, _ =	vpop (xrf0)  }
0x7c: {  	v8 =	vadd.s32 v8, v51;
	v7 =	vadd.s32 v7, v52;
	v49 =	vadd.s32 v37, v38;
	v37, _, _ =	vpop (xrf0)  }
0x7d: {  	v38 =	vmov v6;
	[tilespmem:v47+s12+$0x0] =	vst.idx.msk vm2, v54;
	v51 =	vadd.s32 v36, v37;
	v36, _, _ =	vpop (xrf0);
	v47 =	vmov v9  }
0x7e: {  	v37 =	vmovc v5;
	[tilespmem:v48+s12+$0x0] =	vst.idx.msk vm1, v54;
	v48 =	vadd.s32 v35, v36;
	v36 =	vmov v4;
	v35 =	vmov v3  }
0x7f: {  	[tilespmem:v50+s12+$0x0] =	vst.idx.msk vm0, v54;
	v50, _, _ =	vpop (xrf0)  }
0x80: {  	[tilespmem:v53+s12+$0x0] =	vst.idx.msk vm3, v54;
	v50 =	vadd.s32 v33, v50;
	v33 =	vmov v2  }
0x81: {  	[tilespmem:v49+s12+$0x0] =	vst.idx.msk vm4, v54  }
0x82: {  	[tilespmem:v51+s12+$0x0] =	vst.idx.msk vm5, v54  }
0x83: {  	[tilespmem:v48+s12+$0x0] =	vst.idx.msk vm6, v54;
	_ =	sdelay $0x1  }
0x84: {  	[tilespmem:v50+s12+$0x0] =	vst.idx.msk vm7, v54  }
0x85: {  	v51 =	vld [tilespmem:s16+$0x0]  }
0x86: {  	v50 =	vld [tilespmem:s17+$0x0];
	_ =	sdelay $0x1  }
0x87: {  	v49 =	vld [tilespmem:s18+$0x0];
	_ =	sdelay $0x1  }
0x88: {  	v48 =	vmul.f32 v51, v13;
	v54 =	vmul.f32 v51, v19  }
0x89: {  	v63 =	vmul.f32 v51, v16;
	v55 =	vmul.f32 v50, v14  }
0x8a: {  	v52 =	vmul.f32 v50, v34;
	v56 =	vmul.f32 v50, v22  }
0x8b: {  	v53 =	vmul.f32 v50, v28;
	v58 =	vmul.f32 v50, v11  }
0x8c: {  	v60 =	vmul.f32 v50, v31;
	v57 =	vmul.f32 v49, v24  }
0x8d: {  	v61 =	vmul.f32 v50, v17;
	v59 =	vmul.f32 v49, v15;
	v55 =	vsub.f32 v48, v55  }
0x8e: {  	v62 =	vmul.f32 v51, v10;
	v54 =	vsub.f32 v54, v56;
	v56 =	vmul.f32 v51, v30;
	v48 =	vld [tilespmem:s21+$0x0]  }
.Ltmp2:
0x8f: {  	v0 =	vmul.f32 v49, v18;
	v63 =	vsub.f32 v63, v61;
	v59 =	vsub.f32 v55, v59;
	(pc) =	sbr.rel @p0 .LBB2_5-.Ltmp2, $4  }
0x90: {  	v54 =	vsub.f32 v54, v57;
	v57 =	vmul.f32 v51, v25;
	v55 =	vsub.f32 v56, v60  }
0x91: {  	v60 =	vsub.f32 v62, v58;
	v59 =	vadd.f32 v59, v39  }
0x92: {  	v61 =	vmul.f32 v49, v12;
	v58 =	vsub.f32 v63, v0;
	v56 =	vadd.f32 v54, v42  }
0x93: {  	v63 =	vlaneseq.u32;
	s21 =	sadd.s32 $0x10, s21;
	v54 =	vadd.f32 v59, v48;
	v59 =	vmul.f32 v49, v32  }
.LBB2_6:
0x94: {  	v0 =	vsub.f32 v60, v61;
	v10 =	vsub.f32 v57, v53  }
0x95: {  	v11 =	vmul.f32 v49, v23;
	v14 =	vmul.f32 v51, v26;
	v15 =	vadd.f32 v56, v48  }
0x96: {  	v16 =	vmul.f32 v51, v29;
	v12 =	vadd.f32 v58, v46;
	v0 =	vadd.f32 v0, v45  }
0x97: {  	v24 =	vmul.f32 v50, v27;
	v13 =	vsub.f32 v55, v59;
	v10 =	vsub.f32 v10, v11  }
0x98: {  	v17 =	vmul.f32 v49, v20;
	v14 =	vsub.f32 v14, v52;
	v0 =	vadd.f32 v0, v48  }
0x99: {  	v18 =	vmul.f32 v49, v21;
	v11 =	vsub.f32 v16, v24;
	v12 =	vadd.f32 v12, v48  }
0x9a: {  	v14 =	vsub.f32 v14, v17;
	vm7 =	vle.f32 v0, $2.250000090e-02;
	v0 =	vadd.f32 v10, v40  }
0x9b: {  	vm6 =	vle.f32 v54, $2.250000090e-02;
	v25 =	vadd.f32 v13, v43;
	v11 =	vsub.f32 v11, v18;
	(xrf0) =	vadd.scan.msk.s32 vm7, v1  }
0x9c: {  	vm5 =	vle.f32 v12, $2.250000090e-02;
	v26 =	vadd.f32 v14, v44;
	v0 =	vadd.f32 v0, v48;
	(xrf0) =	vadd.scan.msk.s32 vm6, v1  }
0x9d: {  	vm4 =	vle.f32 v15, $2.250000090e-02;
	v10 =	vadd.f32 v25, v48;
	v11 =	vadd.f32 v11, v41;
	(xrf0) =	vadd.scan.msk.s32 vm5, v1  }
0x9e: {  	v27 =	vadd.f32 v26, v48;
	vm3 =	vle.f32 v0, $2.250000090e-02;
	(xrf0) =	vadd.scan.msk.s32 vm4, v1  }
0x9f: {  	vm2 =	vle.f32 v10, $2.250000090e-02;
	v0 =	vadd.f32 v11, v48;
	(xrf0) =	vadd.scan.msk.s32 vm3, v1  }
0xa0: {  	vm1 =	vle.f32 v27, $2.250000090e-02;
	(xrf0) =	vadd.scan.msk.s32 vm2, v1  }
0xa1: {  	vm0 =	vle.f32 v0, $2.250000090e-02;
	v28, _, _ =	vpop (xrf0);
	(xrf0) =	vadd.scan.msk.s32 vm1, v1  }
0xa2: {  	v0 =	vadd.s32 v47, v28;
	v29, _, _ =	vpop (xrf0);
	(xrf0) =	vadd.scan.msk.s32 vm0, v1  }
0xa3: {  	v10 =	vadd.s32 v8, v29;
	v30, _, _ =	vpop (xrf0)  }
0xa4: {  	v11 =	vadd.s32 v7, v30;
	v31, _, _ =	vpop (xrf0)  }
0xa5: {  	v12 =	vadd.s32 v38, v31;
	v32, _, _ =	vpop (xrf0)  }
0xa6: {  	v34 =	vor.u32 s19, v63;
	v13 =	vadd.s32 v37, v32;
	v38, _, _ =	vpop (xrf0)  }
0xa7: {  	[tilespmem:v0+s12+$0x0] =	vst.idx.msk vm7, v34;
	v0 =	vadd.s32 v36, v38;
	v39, _, _ =	vpop (xrf0)  }
0xa8: {  	[tilespmem:v10+s12+$0x0] =	vst.idx.msk vm6, v34;
	v40 =	vadd.s32 v35, v39;
	v41, _, _ =	vpop (xrf0)  }
0xa9: {  	[tilespmem:v11+s12+$0x0] =	vst.idx.msk vm5, v34;
	v42 =	vadd.s32 v33, v41  }
0xaa: {  	[tilespmem:v12+s12+$0x0] =	vst.idx.msk vm4, v34  }
0xab: {  	[tilespmem:v13+s12+$0x0] =	vst.idx.msk vm3, v34  }
0xac: {  	[tilespmem:v0+s12+$0x0] =	vst.idx.msk vm2, v34  }
0xad: {  	[tilespmem:v40+s12+$0x0] =	vst.idx.msk vm1, v34  }
0xae: {  	[tilespmem:v42+s12+$0x0] =	vst.idx.msk vm0, v34  }
0xaf: {  	v0 =	vld [tilespmem:$0x7000];
	_ =	sdelay $0x1  }
0xb0: {  	v43 =	vmpcnt.ones.xlane vm7;
	_ =	sdelay $0x1  }
0xb1: {  	v9 =	vadd.s32 v9, v43  }
0xb2: {  	v44 =	vadd.s32 $0x1, v9;
	v45 =	vbroadcast v0, $0x0  }
0xb3: {  	s16 =	sshll.u32 s15, $0x9;
	vm11 =	vgt.s32 v44, v63  }
0xb4: {  	s16 =	sand.u32 $0x3FFFFE00, s16;
	v0 =	vsel vm11, v0, v45  }
0xb5: {  	[tilespmem:s16+$0xF000] =	vst v0  }
0xb6: {  	v0 =	vld [tilespmem:$0x7010];
	_ =	sdelay $0x2  }
0xb7: {  	v46 =	vor.u32 $0x10, v63  }
0xb8: {  	vm12 =	vgt.s32 v44, v46  }
0xb9: {  	v0 =	vsel vm12, v0, v45  }
0xba: {  	[tilespmem:s16+$0xF010] =	vst v0  }
0xbb: {  	v0 =	vld [tilespmem:$0x7020];
	_ =	sdelay $0x2  }
0xbc: {  	v47 =	vor.u32 $0x20, v63  }
0xbd: {  	vm13 =	vgt.s32 v44, v47  }
0xbe: {  	v0 =	vsel vm13, v0, v45  }
0xbf: {  	[tilespmem:s16+$0xF020] =	vst v0  }
0xc0: {  	v0 =	vld [tilespmem:$0x7030];
	_ =	sdelay $0x2  }
0xc1: {  	v48 =	vor.u32 $0x30, v63  }
0xc2: {  	vm14 =	vgt.s32 v44, v48  }
0xc3: {  	v0 =	vsel vm14, v0, v45  }
0xc4: {  	[tilespmem:s16+$0xF030] =	vst v0  }
0xc5: {  	v0 =	vld [tilespmem:$0x8000];
	_ =	sdelay $0x1  }
0xc6: {  	v49 =	vmpcnt.ones.xlane vm6;
	_ =	sdelay $0x1  }
0xc7: {  	v50 =	vadd.s32 v8, v49  }
0xc8: {  	v8 =	vadd.s32 $0xFFFFF001, v50;
	v51 =	vbroadcast v0, $0x0  }
0xc9: {  	vm15 =	vgt.s32 v8, v63  }
0xca: {  	v0 =	vsel vm15, v0, v51  }
0xcb: {  	[tilespmem:s16+$0xF040] =	vst v0  }
0xcc: {  	v0 =	vld [tilespmem:$0x8010];
	_ =	sdelay $0x3  }
0xcd: {  	vm9 =	vgt.s32 v8, v46  }
0xce: {  	v0 =	vsel vm9, v0, v51  }
0xcf: {  	[tilespmem:s16+$0xF050] =	vst v0  }
0xd0: {  	v0 =	vld [tilespmem:$0x8020];
	_ =	sdelay $0x3  }
0xd1: {  	vm10 =	vgt.s32 v8, v47  }
0xd2: {  	v0 =	vsel vm10, v0, v51  }
0xd3: {  	[tilespmem:s16+$0xF060] =	vst v0  }
0xd4: {  	v0 =	vld [tilespmem:$0x8030];
	_ =	sdelay $0x3  }
0xd5: {  	vm11 =	vgt.s32 v8, v48  }
0xd6: {  	v0 =	vsel vm11, v0, v51  }
0xd7: {  	[tilespmem:s16+$0xF070] =	vst v0  }
0xd8: {  	v0 =	vld [tilespmem:$0x9000];
	_ =	sdelay $0x1  }
0xd9: {  	v52 =	vmpcnt.ones.xlane vm5;
	_ =	sdelay $0x1  }
0xda: {  	v53 =	vadd.s32 v7, v52  }
0xdb: {  	v7 =	vadd.s32 $0xFFFFE001, v53;
	v54 =	vbroadcast v0, $0x0  }
0xdc: {  	vm12 =	vgt.s32 v7, v63  }
0xdd: {  	v0 =	vsel vm12, v0, v54  }
0xde: {  	[tilespmem:s16+$0xF080] =	vst v0  }
0xdf: {  	v0 =	vld [tilespmem:$0x9010];
	_ =	sdelay $0x3  }
0xe0: {  	vm13 =	vgt.s32 v7, v46  }
0xe1: {  	v0 =	vsel vm13, v0, v54  }
0xe2: {  	[tilespmem:s16+$0xF090] =	vst v0  }
0xe3: {  	v0 =	vld [tilespmem:$0x9020];
	_ =	sdelay $0x3  }
0xe4: {  	vm14 =	vgt.s32 v7, v47  }
0xe5: {  	v0 =	vsel vm14, v0, v54  }
0xe6: {  	[tilespmem:s16+$0xF0A0] =	vst v0  }
0xe7: {  	v0 =	vld [tilespmem:$0x9030];
	_ =	sdelay $0x3  }
0xe8: {  	vm15 =	vgt.s32 v7, v48  }
0xe9: {  	v0 =	vsel vm15, v0, v54  }
0xea: {  	[tilespmem:s16+$0xF0B0] =	vst v0  }
0xeb: {  	v0 =	vld [tilespmem:$0xA000];
	_ =	sdelay $0x1  }
0xec: {  	v55 =	vmpcnt.ones.xlane vm4;
	_ =	sdelay $0x1  }
0xed: {  	v6 =	vadd.s32 v6, v55  }
0xee: {  	v6 =	vadd.s32 $0xFFFFD001, v6;
	v56 =	vbroadcast v0, $0x0  }
0xef: {  	vm8 =	vgt.s32 v6, v63  }
0xf0: {  	v0 =	vsel vm8, v0, v56  }
0xf1: {  	[tilespmem:s16+$0xF0C0] =	vst v0  }
0xf2: {  	v0 =	vld [tilespmem:$0xA010];
	_ =	sdelay $0x3  }
0xf3: {  	vm9 =	vgt.s32 v6, v46  }
0xf4: {  	v0 =	vsel vm9, v0, v56  }
0xf5: {  	[tilespmem:s16+$0xF0D0] =	vst v0  }
0xf6: {  	v0 =	vld [tilespmem:$0xA020];
	_ =	sdelay $0x3  }
0xf7: {  	vm10 =	vgt.s32 v6, v47  }
0xf8: {  	v0 =	vsel vm10, v0, v56  }
0xf9: {  	[tilespmem:s16+$0xF0E0] =	vst v0  }
0xfa: {  	v0 =	vld [tilespmem:$0xA030];
	_ =	sdelay $0x3  }
0xfb: {  	vm11 =	vgt.s32 v6, v48  }
0xfc: {  	v0 =	vsel vm11, v0, v56  }
0xfd: {  	[tilespmem:s16+$0xF0F0] =	vst v0  }
0xfe: {  	v0 =	vld [tilespmem:$0xB000];
	_ =	sdelay $0x1  }
0xff: {  	v57 =	vmpcnt.ones.xlane vm3;
	_ =	sdelay $0x1  }
0x100: {  	v5 =	vadd.s32 v5, v57  }
0x101: {  	v5 =	vadd.s32 $0xFFFFC001, v5;
	v58 =	vbroadcast v0, $0x0  }
0x102: {  	vm12 =	vgt.s32 v5, v63  }
0x103: {  	v0 =	vsel vm12, v0, v58  }
0x104: {  	[tilespmem:s16+$0xF100] =	vst v0  }
0x105: {  	v0 =	vld [tilespmem:$0xB010];
	_ =	sdelay $0x3  }
0x106: {  	vm13 =	vgt.s32 v5, v46  }
0x107: {  	v0 =	vsel vm13, v0, v58  }
0x108: {  	[tilespmem:s16+$0xF110] =	vst v0  }
0x109: {  	v0 =	vld [tilespmem:$0xB020];
	_ =	sdelay $0x3  }
0x10a: {  	vm14 =	vgt.s32 v5, v47  }
0x10b: {  	v0 =	vsel vm14, v0, v58  }
0x10c: {  	[tilespmem:s16+$0xF120] =	vst v0  }
0x10d: {  	v0 =	vld [tilespmem:$0xB030];
	_ =	sdelay $0x3  }
0x10e: {  	vm15 =	vgt.s32 v5, v48  }
0x10f: {  	v0 =	vsel vm15, v0, v58  }
0x110: {  	[tilespmem:s16+$0xF130] =	vst v0  }
0x111: {  	v0 =	vld [tilespmem:$0xC000];
	_ =	sdelay $0x1  }
0x112: {  	v59 =	vmpcnt.ones.xlane vm2;
	_ =	sdelay $0x1  }
0x113: {  	v4 =	vadd.s32 v4, v59  }
0x114: {  	v4 =	vadd.s32 $0xFFFFB001, v4;
	v60 =	vbroadcast v0, $0x0  }
0x115: {  	vm4 =	vgt.s32 v4, v63  }
0x116: {  	v0 =	vsel vm4, v0, v60  }
0x117: {  	[tilespmem:s16+$0xF140] =	vst v0  }
0x118: {  	v0 =	vld [tilespmem:$0xC010];
	_ =	sdelay $0x3  }
0x119: {  	vm5 =	vgt.s32 v4, v46  }
0x11a: {  	v0 =	vsel vm5, v0, v60  }
0x11b: {  	[tilespmem:s16+$0xF150] =	vst v0  }
0x11c: {  	v0 =	vld [tilespmem:$0xC020];
	_ =	sdelay $0x3  }
0x11d: {  	vm6 =	vgt.s32 v4, v47  }
0x11e: {  	v0 =	vsel vm6, v0, v60  }
0x11f: {  	[tilespmem:s16+$0xF160] =	vst v0  }
0x120: {  	v0 =	vld [tilespmem:$0xC030];
	_ =	sdelay $0x3  }
0x121: {  	vm7 =	vgt.s32 v4, v48  }
0x122: {  	v0 =	vsel vm7, v0, v60  }
0x123: {  	[tilespmem:s16+$0xF170] =	vst v0  }
0x124: {  	v0 =	vld [tilespmem:$0xD000];
	_ =	sdelay $0x1  }
0x125: {  	v61 =	vmpcnt.ones.xlane vm1;
	_ =	sdelay $0x1  }
0x126: {  	v3 =	vadd.s32 v3, v61  }
0x127: {  	v3 =	vadd.s32 $0xFFFFA001, v3;
	v62 =	vbroadcast v0, $0x0  }
0x128: {  	vm8 =	vgt.s32 v3, v63  }
0x129: {  	v0 =	vsel vm8, v0, v62  }
0x12a: {  	[tilespmem:s16+$0xF180] =	vst v0  }
0x12b: {  	v0 =	vld [tilespmem:$0xD010];
	_ =	sdelay $0x3  }
0x12c: {  	vm9 =	vgt.s32 v3, v46  }
0x12d: {  	v0 =	vsel vm9, v0, v62  }
0x12e: {  	[tilespmem:s16+$0xF190] =	vst v0  }
0x12f: {  	v0 =	vld [tilespmem:$0xD020];
	_ =	sdelay $0x3  }
0x130: {  	vm10 =	vgt.s32 v3, v47  }
0x131: {  	v0 =	vsel vm10, v0, v62  }
0x132: {  	[tilespmem:s16+$0xF1A0] =	vst v0  }
0x133: {  	v0 =	vld [tilespmem:$0xD030];
	_ =	sdelay $0x3  }
0x134: {  	vm11 =	vgt.s32 v3, v48  }
0x135: {  	v0 =	vsel vm11, v0, v62  }
0x136: {  	[tilespmem:s16+$0xF1B0] =	vst v0  }
0x137: {  	v0 =	vld [tilespmem:$0xE000];
	_ =	sdelay $0x1  }
0x138: {  	v3 =	vmpcnt.ones.xlane vm0;
	_ =	sdelay $0x1  }
0x139: {  	v2 =	vadd.s32 v2, v3  }
0x13a: {  	v2 =	vadd.s32 $0xFFFF9001, v2;
	v3 =	vbroadcast v0, $0x0  }
0x13b: {  	vm12 =	vgt.s32 v2, v63  }
0x13c: {  	v0 =	vsel vm12, v0, v3  }
0x13d: {  	[tilespmem:s16+$0xF1C0] =	vst v0  }
0x13e: {  	v0 =	vld [tilespmem:$0xE010];
	_ =	sdelay $0x3  }
0x13f: {  	vm13 =	vgt.s32 v2, v46  }
0x140: {  	v0 =	vsel vm13, v0, v3  }
0x141: {  	[tilespmem:s16+$0xF1D0] =	vst v0  }
0x142: {  	v0 =	vld [tilespmem:$0xE020];
	_ =	sdelay $0x3  }
0x143: {  	vm14 =	vgt.s32 v2, v47  }
0x144: {  	v0 =	vsel vm14, v0, v3  }
0x145: {  	[tilespmem:s16+$0xF1E0] =	vst v0  }
0x146: {  	s15 =	sadd.s32 $0x1, s15;
	v0 =	vld [tilespmem:$0xE030]  }
0x147: {  	p0 =	sne.s32 s15, $0x40  }
.Ltmp3:
0x148: {  	_ = 	snop;
	(pc) =	sbr.rel @p0 .LBB2_4-.Ltmp3, $4  }
0x149: {  	_ = 	snop  }
0x14a: {  	vm15 =	vgt.s32 v2, v48  }
0x14b: {  	v0 =	vsel vm15, v0, v3  }
0x14c: {  	[tilespmem:s16+$0xF1F0] =	vst v0  }
0x14d: {  	s14 =	sadd.s32 $0x1, s14  }
0x14e: {  	p0 =	sne.s32 s14, s8  }
.Ltmp4:
0x14f: {  	_ = 	snop;
	(pc) =	sbr.rel @p0 .LBB2_1-.Ltmp4, $4  }
0x150: {  	[hbm4b:s7+s2] =	stream.linear.scatter [tilespmem:s13], [sflag:$0x1], $0x8000, $0x38;
	[tilespmem:$0x17000] =	vst v63  }
0x151: {  	_ =	swait.ge [sflag:s9], $0x8000  }
0x152: {  	[sflag:s9] =	ssyncset.done $0x0  }
0x153: {  	[sflag:s9] =	ssyncadd.s32 $0xFFFF8000  }
0x154: {  	_ =	sfence.sel $0x180000  }
0x155: {  	[bflag:$0x0] =	sbarrier.arrive $0xFFFF  }
0x156: {  	p0 =	sne.s32 s1, $0x0;
	_ =	strace $0x90000047  }
0x157: {  	s0 =	sadd.s32 @!p0 $0x100000, s0;
	[bflag:$0x2] =	sbarrier.arrive $0xFFFF  }
0x158: {  	[sflag:s0] =	ssyncadd.tile.s32 @!p0 $0x1;
	_ =	shalt  }
.Lfunc_end2:
_tile_overlayer_lowered:
.L_overlay_start_2:
0x159: {  	(tag) =	ssettag $0x2  }
0x15a: {  	s0 =	rddreg [dreg:$0x0];
	s2 =	stileid.u32  }
0x15b: {  	s1 =	rddreg [dreg:$0x1];
	p0 =	sne.s32 s2, $0x0  }
0x15c: {  	s3 =	rddreg [dreg:$0x2];
	[bflag:$0x3] =	sbarrier.arrive $0xFFFF;
	s2 =	simm.s32 @!p0 $0x1C01  }
0x15d: {  	[timem:s3], [sflag:s2] =	dma.local @!p0 [hbm:s0], s1  }
0x15e: {  	s0 =	simm.s32 @!p0 $0x1  }
0x15f: {  	_ =	swait.ge @!p0 [sflag:s0], s1  }
0x160: {  	s1 =	ssub.s32 @!p0 $0x0, s1;
	[sflag:s0] =	ssyncset.done @!p0 $0x0  }
0x161: {  	[sflag:s0] =	ssyncadd.s32 @!p0 s1  }
0x162: {  	[bflag:$0x3] =	sbarrier.arrive $0xFFFF  }
0x163: {  	_ =	shalt  }

</sc_bundles>
